<compile_context>
chip_gen: v7x
topology: tpu7x:2x2x1
jax: 0.10.2.dev20260603
libtpu: 0.0.44.dev20260713+nightly
codegen_flags: <defaults>
</compile_context>

<pallas_src>
import functools

import jax
import jax.numpy as jnp
from jax import lax
from jax.experimental import pallas as pl
from jax.experimental.pallas import tpu as pltpu
from jax.experimental.pallas import tpu_sc as plsc

_NC = 2
_NS = 16
_L = 16
_NW = _NC * _NS

_N = 10000
_D = 128
_E = 320000
_EPW = _E // _NW
_CH = 80
_ZR = 125
_HR = _N // _L

_mesh = plsc.VectorSubcoreMesh(core_axis_name="c", subcore_axis_name="s")
_sc_params = pltpu.CompilerParams(needs_layout_passes=False)


@functools.partial(
    pl.kernel,
    out_type=jax.ShapeDtypeStruct((_NC, _HR, _L), jnp.float32),
    mesh=_mesh,
    scratch_types=[
        pltpu.VMEM((_EPW,), jnp.int32),
        pltpu.VMEM((_HR, _L), jnp.float32),
        pltpu.VMEM((5, _ZR), jnp.int32),
        pltpu.VMEM_SHARED((_HR, _L), jnp.float32),
    ],
    compiler_params=_sc_params,
)
def _sc_degree_hist(dst_hbm, rix_hbm, out_hbm, idx_v, hist_v, rix_v, hist_sh):
    c = lax.axis_index("c")
    s = lax.axis_index("s")
    wid = s * _NC + c
    pltpu.sync_copy(dst_hbm.at[wid], idx_v)
    pltpu.sync_copy(rix_hbm, rix_v)
    z16 = jnp.zeros((_L,), jnp.float32)

    @pl.loop(0, _HR)
    def _zero(r):
        hist_v[r, :] = z16

    @pl.when(s == 0)
    def _():
        pltpu.sync_copy(hist_v, hist_sh)

    plsc.subcore_barrier()

    ones = jnp.ones((_L,), jnp.float32)
    four = jnp.full((_L,), 4, jnp.int32)
    fifteen = jnp.full((_L,), 15, jnp.int32)

    @pl.loop(0, _EPW, step=_L)
    def _hist(i):
        idx = idx_v[pl.ds(i, _L)]
        row = jnp.right_shift(idx, four)
        colv = jnp.bitwise_and(idx, fifteen)
        plsc.addupdate_scatter(hist_v, [row, colv], ones)

    @pl.loop(0, 5)
    def _combine(k):
        pltpu.sync_copy(hist_v.at[pl.ds(k * _ZR, _ZR)],
                        hist_sh.at[rix_v.at[k]], add=True)

    plsc.subcore_barrier()

    @pl.when(s == 0)
    def _():
        pltpu.sync_copy(hist_sh, out_hbm.at[c])


_HALF = _N // _NC
_TRASH = 64
_AROWS = 5120
_EPC = _E // _NS
_NCHC = _EPC // _CH


@functools.partial(
    pl.kernel,
    out_type=jax.ShapeDtypeStruct((_NC, _HALF, _D), jnp.float32),
    mesh=_mesh,
    scratch_types=[
        pltpu.VMEM((_NCHC, _CH), jnp.int32),
        pltpu.VMEM((_NCHC, _CH), jnp.int32),
        pltpu.VMEM((_CH, _D), jnp.float32),
        pltpu.VMEM((_CH, _D), jnp.float32),
        pltpu.VMEM_SHARED((_AROWS, _D), jnp.float32),
        pltpu.SemaphoreType.DMA,
        pltpu.SemaphoreType.DMA,
    ],
    compiler_params=_sc_params,
)
def _sc_edge_agg(hs_hbm, src_hbm, dst_hbm, out_hbm,
                 src_v, dst_v, rows_a, rows_b, agg_sh, gsem_a, gsem_b):
    c = lax.axis_index("c")
    s = lax.axis_index("s")
    pltpu.sync_copy(src_hbm.at[s], src_v)
    pltpu.sync_copy(dst_hbm.at[s], dst_v)
    z16 = jnp.zeros((_L,), jnp.float32)

    @pl.loop(0, _CH)
    def _zero(r):
        @pl.loop(0, _D, step=_L)
        def _(j):
            rows_a[r, pl.ds(j, _L)] = z16

    @pl.loop(0, 320, step=_CH)
    def _zero_spmem(r0):
        pltpu.sync_copy(rows_a, agg_sh.at[pl.ds(s * 320 + r0, _CH)])

    lo = jnp.full((_L,), 0, jnp.int32) + c * _HALF
    hi = lo + _HALF
    tbase = jnp.full((_L,), _HALF, jnp.int32)
    tmask = jnp.full((_L,), _TRASH - 1, jnp.int32)

    @pl.loop(0, _NCHC)
    def _remap(r):
        @pl.loop(0, _CH, step=_L)
        def _(j):
            v = dst_v[r, pl.ds(j, _L)]
            in_half = (v >= lo) & (v < hi)
            mapped = jnp.where(in_half, v - lo,
                               tbase + jnp.bitwise_and(v, tmask))
            dst_v[r, pl.ds(j, _L)] = mapped

    pltpu.async_copy(hs_hbm.at[src_v.at[0]], rows_a, gsem_a)
    plsc.subcore_barrier()

    @pl.loop(0, _NCHC, step=2)
    def _edges(j):
        pltpu.async_copy(hs_hbm.at[src_v.at[j + 1]], rows_b, gsem_b)
        pltpu.make_async_copy(hs_hbm.at[src_v.at[j]], rows_a, gsem_a).wait()
        pltpu.sync_copy(rows_a, agg_sh.at[dst_v.at[j]], add=True)

        @pl.when(j + 2 < _NCHC)
        def _():
            pltpu.async_copy(hs_hbm.at[src_v.at[j + 2]], rows_a, gsem_a)

        pltpu.make_async_copy(hs_hbm.at[src_v.at[j + 1]], rows_b, gsem_b).wait()
        pltpu.sync_copy(rows_b, agg_sh.at[dst_v.at[j + 1]], add=True)

    plsc.subcore_barrier()

    @pl.when(s < 5)
    def _writeout():
        pltpu.sync_copy(agg_sh.at[pl.ds(s * 1000, 1000)],
                        out_hbm.at[c, pl.ds(s * 1000, 1000)])


def _mm_body(x_ref, w_ref, o_ref):
    o_ref[...] = jnp.dot(x_ref[...], w_ref[...],
                         preferred_element_type=jnp.float32)


def _scale_body(h_ref, deg_ref, o_ref):
    o_ref[...] = h_ref[...] * lax.rsqrt(deg_ref[...])


def _mid_body(agg_ref, hs_ref, deg_ref, b1_ref, gamma_ref, beta_ref,
              w2_ref, o_ref):
    dinv = lax.rsqrt(deg_ref[...])
    t = (agg_ref[...] + hs_ref[...]) * dinv + b1_ref[...]
    mu = jnp.mean(t, axis=0, keepdims=True)
    var = jnp.mean(jnp.square(t - mu), axis=0, keepdims=True)
    hn = (t - mu) * lax.rsqrt(var + 1e-5) * gamma_ref[...] + beta_ref[...]
    h = jnp.maximum(hn, 0.0)
    o_ref[...] = jnp.dot(h, w2_ref[...],
                         preferred_element_type=jnp.float32) * dinv


def _fin_body(agg_ref, hs_ref, deg_ref, b2_ref, o_ref):
    o_ref[...] = ((agg_ref[...] + hs_ref[...]) * lax.rsqrt(deg_ref[...])
                  + b2_ref[...])


def kernel(x, edge_index, W1, b1, gamma, beta, W2, b2):
    n, d = x.shape
    src3 = edge_index[0].astype(jnp.int32).reshape(_NS, _NCHC, _CH)
    dst = edge_index[1].astype(jnp.int32)
    dst3 = dst.reshape(_NS, _NCHC, _CH)
    dst2 = dst.reshape(_NW, _EPW)
    rix = jnp.arange(5 * _ZR, dtype=jnp.int32).reshape(5, _ZR)
    nd = jax.ShapeDtypeStruct((n, d), jnp.float32)

    hist = _sc_degree_hist(dst2, rix)
    h1 = pl.pallas_call(_mm_body, out_shape=nd)(x, W1)
    deg = (hist[0] + hist[1] + 1.0).reshape(n, 1)
    hs1 = pl.pallas_call(_scale_body, out_shape=nd)(h1, deg)
    agg1 = _sc_edge_agg(hs1, src3, dst3).reshape(n, d)
    hs2 = pl.pallas_call(
        _mid_body,
        out_shape=nd,
    )(agg1, hs1, deg, b1.reshape(1, d), gamma.reshape(1, d),
      beta.reshape(1, d), W2)
    agg2 = _sc_edge_agg(hs2, src3, dst3).reshape(n, d)
    out = pl.pallas_call(
        _fin_body,
        out_shape=nd,
    )(agg2, hs2, deg, b2.reshape(1, d))
    return out

# --- scband reference (transcript-rebuilt; emitter-appended) ---
"""Pipeline reference for scband-gcn2-80676665688552 (READ-ONLY COPY).

The authoritative reference and input builder live on the scoring server;
editing this copy changes nothing except your own understanding.
"""

import jax, jax.numpy as jnp
import numpy as np

N_NODES = 10000
N_EDGES = 320000
D_IN = 128
D_HID = 128
D_OUT = 128
EPS_BN = 1e-5


def setup_inputs(seed: int = 0) -> dict:
    key = jax.random.key(seed)
    k_x, k_e, k_w1, k_b1, k_w2, k_b2 = jax.random.split(key, 6)
    x = jax.random.normal(k_x, (N_NODES, D_IN), dtype=jnp.float32)
    edge_index = jax.random.randint(k_e, (2, N_EDGES), 0, N_NODES, dtype=jnp.int64)
    s1 = 1.0 / np.sqrt(D_IN)
    s2 = 1.0 / np.sqrt(D_HID)
    W1 = jax.random.uniform(k_w1, (D_IN, D_HID), minval=-s1, maxval=s1, dtype=jnp.float32)
    b1 = jax.random.uniform(k_b1, (D_HID,), minval=-s1, maxval=s1, dtype=jnp.float32)
    W2 = jax.random.uniform(k_w2, (D_HID, D_OUT), minval=-s2, maxval=s2, dtype=jnp.float32)
    b2 = jax.random.uniform(k_b2, (D_OUT,), minval=-s2, maxval=s2, dtype=jnp.float32)
    gamma = jnp.ones((D_HID,), dtype=jnp.float32)
    beta = jnp.zeros((D_HID,), dtype=jnp.float32)
    return {"x": x, "edge_index": edge_index, "W1": W1, "b1": b1,
            "gamma": gamma, "beta": beta, "W2": W2, "b2": b2}


def _gcn_conv(x, src, dst, W, b):
    n = x.shape[0]
    # linear transform first (as in PyG GCNConv)
    h = x @ W
    # symmetric normalization with self-loops (src/dst already include loops)
    deg = jnp.zeros((n,), dtype=h.dtype).at[dst].add(1.0)
    dinv = jnp.where(deg > 0, 1.0 / jnp.sqrt(deg), 0.0)
    norm = dinv[src] * dinv[dst]
    msg = h[src] * norm[:, None]
    out = jnp.zeros_like(h).at[dst].add(msg)
    return out + b


def reference(x, edge_index, W1, b1, gamma, beta, W2, b2):
    n = x.shape[0]
    loop = jnp.arange(n, dtype=edge_index.dtype)
    src = jnp.concatenate([edge_index[0], loop])
    dst = jnp.concatenate([edge_index[1], loop])
    h = _gcn_conv(x, src, dst, W1, b1)
    # BatchNorm1d (batch statistics, biased variance, as in training-mode forward)
    mu = jnp.mean(h, axis=0)
    var = jnp.mean((h - mu) ** 2, axis=0)
    h = (h - mu) / jnp.sqrt(var + EPS_BN) * gamma + beta
    h = jax.nn.relu(h)
    # dropout is identity in deterministic/eval reference
    out = _gcn_conv(h, src, dst, W2, b2)
    return out

if __name__ == "__main__":
    import jax
    _d = setup_inputs()
    print(jax.jit(kernel)(*tuple(_d.values())))

</pallas_src>

<mosaic_0001>
#map = affine_map<(d0, d1) -> (0, 0)>
#map1 = affine_map<(d0, d1) -> (0, 0, 0)>
module attributes {stable_mosaic.version = 14 : i64} {
  func.func @_sc_degree_hist(%arg0: i32, %arg1: i32, %arg2: memref<32x10000xi32, #tpu.memory_space<hbm>>, %arg3: memref<5x125xi32, #tpu.memory_space<hbm>>, %arg4: memref<2x625x16xf32, #tpu.memory_space<hbm>>, %arg5: memref<10000xi32, #tpu.memory_space<vmem>>, %arg6: memref<625x16xf32, #tpu.memory_space<vmem>>, %arg7: memref<5x125xi32, #tpu.memory_space<vmem>>, %arg8: memref<625x16xf32, #tpu.memory_space<vmem_shared>>) attributes {dimension_semantics = [#tpu.dimension_semantics<core_parallel>, #tpu.dimension_semantics<subcore_parallel>], iteration_bounds = array<i64: 2, 16>, scalar_prefetch = 0 : i64, scratch_operands = 4 : i64, tpu.core_type = #tpu.core_type<sc_vector_subcore>, window_params = [{transform_indices = #map}, {transform_indices = #map}, {transform_indices = #map1}]} {
    %mul3A = arith.constant 2 : i32
    %mul3A_0 = arith.muli %arg1, %mul3A : i32
    %add3A = arith.addi %mul3A_0, %arg0 : i32
    "tpu.region"() ({
      %run_scoped3A = tpu.sem_alloc : memref<!tpu.dma_semaphore, #tpu.memory_space<semaphore_mem>>
      %dma_start3A = arith.constant 0 : i32
      %dma_start3A_30 = tpu.memref_slice %arg2[%add3A, %dma_start3A] : memref<32x10000xi32, #tpu.memory_space<hbm>> -> memref<1x10000xi32, #tpu.memory_space<hbm>>
      %dma_start3A_31 = tpu.memref_squeeze %dma_start3A_30 : memref<1x10000xi32, #tpu.memory_space<hbm>> -> memref<10000xi32, #tpu.memory_space<hbm>>
      %dma_start3A_32 = arith.constant 0 : i32
      %dma_start3A_33 = tpu.memref_slice %arg2[%add3A, %dma_start3A_32] : memref<32x10000xi32, #tpu.memory_space<hbm>> -> memref<1x10000xi32, #tpu.memory_space<hbm>>
      %dma_start3A_34 = tpu.memref_squeeze %dma_start3A_33 : memref<1x10000xi32, #tpu.memory_space<hbm>> -> memref<10000xi32, #tpu.memory_space<hbm>>
      tpu.enqueue_dma source(%dma_start3A_34 : memref<10000xi32, #tpu.memory_space<hbm>>) target(%arg5 : memref<10000xi32, #tpu.memory_space<vmem>>) target_semaphore(%run_scoped3A : memref<!tpu.dma_semaphore, #tpu.memory_space<semaphore_mem>>)
      %dma_wait3A = arith.constant 0 : i32
      %dma_wait3A_35 = tpu.memref_slice %arg2[%add3A, %dma_wait3A] : memref<32x10000xi32, #tpu.memory_space<hbm>> -> memref<1x10000xi32, #tpu.memory_space<hbm>>
      %dma_wait3A_36 = tpu.memref_squeeze %dma_wait3A_35 : memref<1x10000xi32, #tpu.memory_space<hbm>> -> memref<10000xi32, #tpu.memory_space<hbm>>
      %dma_wait3A_37 = arith.constant 0 : i32
      %dma_wait3A_38 = tpu.memref_slice %arg2[%add3A, %dma_wait3A_37] : memref<32x10000xi32, #tpu.memory_space<hbm>> -> memref<1x10000xi32, #tpu.memory_space<hbm>>
      %dma_wait3A_39 = tpu.memref_squeeze %dma_wait3A_38 : memref<1x10000xi32, #tpu.memory_space<hbm>> -> memref<10000xi32, #tpu.memory_space<hbm>>
      tpu.wait_dma2 semaphore(%run_scoped3A : memref<!tpu.dma_semaphore, #tpu.memory_space<semaphore_mem>>) src(%dma_wait3A_39 : memref<10000xi32, #tpu.memory_space<hbm>>) dst(%arg5 : memref<10000xi32, #tpu.memory_space<vmem>>)
      tpu.yield
    }) : () -> ()
    "tpu.region"() ({
      %run_scoped3A = tpu.sem_alloc : memref<!tpu.dma_semaphore, #tpu.memory_space<semaphore_mem>>
      tpu.enqueue_dma source(%arg3 : memref<5x125xi32, #tpu.memory_space<hbm>>) target(%arg7 : memref<5x125xi32, #tpu.memory_space<vmem>>) target_semaphore(%run_scoped3A : memref<!tpu.dma_semaphore, #tpu.memory_space<semaphore_mem>>)
      tpu.wait_dma2 semaphore(%run_scoped3A : memref<!tpu.dma_semaphore, #tpu.memory_space<semaphore_mem>>) src(%arg3 : memref<5x125xi32, #tpu.memory_space<hbm>>) dst(%arg7 : memref<5x125xi32, #tpu.memory_space<vmem>>)
      tpu.yield
    }) : () -> ()
    %broadcast_in_dim3A = arith.constant 0.000000e+00 : f32
    %broadcast_in_dim3A_1 = vector.broadcast %broadcast_in_dim3A : f32 to vector<16xf32>
    %scan3A = arith.constant 0 : i32
    %scan3A_2 = arith.constant 625 : i32
    %scan3A_3 = arith.addi %scan3A, %scan3A_2 : i32
    %scan3A_4 = arith.constant 1 : i32
    scf.for %scan3A_30 = %scan3A to %scan3A_3 step %scan3A_4  : i32 {
      %mul3A_31 = arith.constant 1 : i32
      %mul3A_32 = arith.muli %scan3A_30, %mul3A_31 : i32
      %add3A_33 = arith.constant 0 : i32
      %add3A_34 = arith.addi %add3A_33, %mul3A_32 : i32
      %swap3A = arith.index_cast %add3A_34 : i32 to index
      %swap3A_35 = arith.constant 0 : index
      %swap3A_36 = tpu.vector_load %arg6[%swap3A, %swap3A_35] {strides = array<i32>} : memref<625x16xf32, #tpu.memory_space<vmem>>, vector<16xf32>,
      tpu.vector_store %arg6[%swap3A, %swap3A_35], %broadcast_in_dim3A_1 {strides = array<i32>} : memref<625x16xf32, #tpu.memory_space<vmem>>, vector<16xf32>,
    }
    %scan3A_5 = arith.constant 625 : i32
    %eq3A = arith.constant 0 : i32
    %eq3A_6 = arith.cmpi eq, %arg1, %eq3A : i32
    %convert_element_type3A = arith.extui %eq3A_6 : i1 to i32
    %cond3A = arith.constant 0 : i32
    %cond3A_7 = arith.cmpi ne, %convert_element_type3A, %cond3A : i32
    scf.if %cond3A_7 {
      "tpu.region"() ({
        %run_scoped3A = tpu.sem_alloc : memref<!tpu.dma_semaphore, #tpu.memory_space<semaphore_mem>>
        tpu.enqueue_dma source(%arg6 : memref<625x16xf32, #tpu.memory_space<vmem>>) target(%arg8 : memref<625x16xf32, #tpu.memory_space<vmem_shared>>) target_semaphore(%run_scoped3A : memref<!tpu.dma_semaphore, #tpu.memory_space<semaphore_mem>>)
        tpu.wait_dma2 semaphore(%run_scoped3A : memref<!tpu.dma_semaphore, #tpu.memory_space<semaphore_mem>>) src(%arg6 : memref<625x16xf32, #tpu.memory_space<vmem>>) dst(%arg8 : memref<625x16xf32, #tpu.memory_space<vmem_shared>>)
        tpu.yield
      }) : () -> ()
    } else {
    }
    %barrier3A = arith.constant 0 : index
    tpu.barrier barrier_id(%barrier3A)
    %broadcast_in_dim3A_8 = arith.constant 1.000000e+00 : f32
    %broadcast_in_dim3A_9 = vector.broadcast %broadcast_in_dim3A_8 : f32 to vector<16xf32>
    %broadcast_in_dim3A_10 = arith.constant 4 : i32
    %broadcast_in_dim3A_11 = vector.broadcast %broadcast_in_dim3A_10 : i32 to vector<16xi32>
    %broadcast_in_dim3A_12 = arith.constant 15 : i32
    %broadcast_in_dim3A_13 = vector.broadcast %broadcast_in_dim3A_12 : i32 to vector<16xi32>
    %scan3A_14 = arith.constant 0 : i32
    %scan3A_15 = arith.constant 625 : i32
    %scan3A_16 = arith.addi %scan3A_14, %scan3A_15 : i32
    %scan3A_17 = arith.constant 1 : i32
    scf.for %scan3A_30 = %scan3A_14 to %scan3A_16 step %scan3A_17  : i32 {
      %mul3A_31 = arith.constant 16 : i32
      %mul3A_32 = arith.muli %scan3A_30, %mul3A_31 : i32
      %add3A_33 = arith.constant 0 : i32
      %add3A_34 = arith.addi %add3A_33, %mul3A_32 : i32
      %get3A = arith.index_cast %add3A_34 : i32 to index
      %get3A_35 = tpu.vector_load %arg5[%get3A] {strides = array<i32>} : memref<10000xi32, #tpu.memory_space<vmem>>, vector<16xi32>,
      %shift_right_arithmetic3A = arith.shrsi %get3A_35, %broadcast_in_dim3A_11 : vector<16xi32>
      %and3A = arith.andi %get3A_35, %broadcast_in_dim3A_13 : vector<16xi32>
      tpu.vector_store_idx %arg6[%shift_right_arithmetic3A, %and3A], %broadcast_in_dim3A_9 {add = true} : memref<625x16xf32, #tpu.memory_space<vmem>>[vector<16xi32>, vector<16xi32>], vector<16xf32>,
    }
    %scan3A_18 = arith.constant 625 : i32
    %scan3A_19 = arith.constant 0 : i32
    %scan3A_20 = arith.constant 5 : i32
    %scan3A_21 = arith.addi %scan3A_19, %scan3A_20 : i32
    %scan3A_22 = arith.constant 1 : i32
    scf.for %scan3A_30 = %scan3A_19 to %scan3A_21 step %scan3A_22  : i32 {
      %mul3A_31 = arith.constant 1 : i32
      %mul3A_32 = arith.muli %scan3A_30, %mul3A_31 : i32
      %add3A_33 = arith.constant 0 : i32
      %add3A_34 = arith.addi %add3A_33, %mul3A_32 : i32
      %mul3A_35 = arith.constant 125 : i32
      %mul3A_36 = arith.muli %add3A_34, %mul3A_35 : i32
      "tpu.region"() ({
        %run_scoped3A = tpu.sem_alloc : memref<!tpu.dma_semaphore, #tpu.memory_space<semaphore_mem>>
        %dma_start3A = arith.constant 0 : i32
        %dma_start3A_37 = tpu.memref_slice %arg6[%mul3A_36, %dma_start3A] : memref<625x16xf32, #tpu.memory_space<vmem>> -> memref<125x16xf32, #tpu.memory_space<vmem>>
        %dma_start3A_38 = arith.constant 0 : i32
        %dma_start3A_39 = tpu.memref_slice %arg7[%add3A_34, %dma_start3A_38] : memref<5x125xi32, #tpu.memory_space<vmem>> -> memref<1x125xi32, #tpu.memory_space<vmem>>
        %dma_start3A_40 = tpu.memref_squeeze %dma_start3A_39 : memref<1x125xi32, #tpu.memory_space<vmem>> -> memref<125xi32, #tpu.memory_space<vmem>>
        %dma_start3A_41 = arith.constant 0 : i32
        %dma_start3A_42 = arith.constant 0 : i32
        %dma_start3A_43 = tpu.memref_slice %arg8[%dma_start3A_41, %dma_start3A_42] : memref<625x16xf32, #tpu.memory_space<vmem_shared>> -> memref<625x16xf32, #tpu.memory_space<vmem_shared>>
        tpu.enqueue_indirect_dma source(%dma_start3A_37 : memref<125x16xf32, #tpu.memory_space<vmem>>) target(%dma_start3A_43 : memref<625x16xf32, #tpu.memory_space<vmem_shared>>) offsets(%dma_start3A_40 : memref<125xi32, #tpu.memory_space<vmem>>) semaphore(%run_scoped3A : memref<!tpu.dma_semaphore, #tpu.memory_space<semaphore_mem>>) {add = true}
        %dma_wait3A = arith.constant 0 : i32
        %dma_wait3A_44 = tpu.memref_slice %arg6[%mul3A_36, %dma_wait3A] : memref<625x16xf32, #tpu.memory_space<vmem>> -> memref<125x16xf32, #tpu.memory_space<vmem>>
        %dma_wait3A_45 = arith.constant 0 : i32
        %dma_wait3A_46 = tpu.memref_slice %arg7[%add3A_34, %dma_wait3A_45] : memref<5x125xi32, #tpu.memory_space<vmem>> -> memref<1x125xi32, #tpu.memory_space<vmem>>
        %dma_wait3A_47 = tpu.memref_squeeze %dma_wait3A_46 : memref<1x125xi32, #tpu.memory_space<vmem>> -> memref<125xi32, #tpu.memory_space<vmem>>
        %dma_wait3A_48 = arith.constant 0 : i32
        %dma_wait3A_49 = arith.constant 0 : i32
        %dma_wait3A_50 = tpu.memref_slice %arg8[%dma_wait3A_48, %dma_wait3A_49] : memref<625x16xf32, #tpu.memory_space<vmem_shared>> -> memref<625x16xf32, #tpu.memory_space<vmem_shared>>
        tpu.wait_indirect_dma semaphore(%run_scoped3A : memref<!tpu.dma_semaphore, #tpu.memory_space<semaphore_mem>>) src(%dma_wait3A_44 : memref<125x16xf32, #tpu.memory_space<vmem>>) dst(%dma_wait3A_50 : memref<625x16xf32, #tpu.memory_space<vmem_shared>>)
        tpu.yield
      }) : () -> ()
    }
    %scan3A_23 = arith.constant 5 : i32
    %barrier3A_24 = arith.constant 0 : index
    tpu.barrier barrier_id(%barrier3A_24)
    %eq3A_25 = arith.constant 0 : i32
    %eq3A_26 = arith.cmpi eq, %arg1, %eq3A_25 : i32
    %convert_element_type3A_27 = arith.extui %eq3A_26 : i1 to i32
    %cond3A_28 = arith.constant 0 : i32
    %cond3A_29 = arith.cmpi ne, %convert_element_type3A_27, %cond3A_28 : i32
    scf.if %cond3A_29 {
      "tpu.region"() ({
        %run_scoped3A = tpu.sem_alloc : memref<!tpu.dma_semaphore, #tpu.memory_space<semaphore_mem>>
        %dma_start3A = arith.constant 0 : i32
        %dma_start3A_30 = arith.constant 0 : i32
        %dma_start3A_31 = tpu.memref_slice %arg4[%arg0, %dma_start3A, %dma_start3A_30] : memref<2x625x16xf32, #tpu.memory_space<hbm>> -> memref<1x625x16xf32, #tpu.memory_space<hbm>>
        %dma_start3A_32 = tpu.memref_squeeze %dma_start3A_31 : memref<1x625x16xf32, #tpu.memory_space<hbm>> -> memref<625x16xf32, #tpu.memory_space<hbm>>
        tpu.enqueue_dma source(%arg8 : memref<625x16xf32, #tpu.memory_space<vmem_shared>>) target(%dma_start3A_32 : memref<625x16xf32, #tpu.memory_space<hbm>>) target_semaphore(%run_scoped3A : memref<!tpu.dma_semaphore, #tpu.memory_space<semaphore_mem>>)
        %dma_wait3A = arith.constant 0 : i32
        %dma_wait3A_33 = arith.constant 0 : i32
        %dma_wait3A_34 = tpu.memref_slice %arg4[%arg0, %dma_wait3A, %dma_wait3A_33] : memref<2x625x16xf32, #tpu.memory_space<hbm>> -> memref<1x625x16xf32, #tpu.memory_space<hbm>>
        %dma_wait3A_35 = tpu.memref_squeeze %dma_wait3A_34 : memref<1x625x16xf32, #tpu.memory_space<hbm>> -> memref<625x16xf32, #tpu.memory_space<hbm>>
        tpu.wait_dma2 semaphore(%run_scoped3A : memref<!tpu.dma_semaphore, #tpu.memory_space<semaphore_mem>>) src(%arg8 : memref<625x16xf32, #tpu.memory_space<vmem_shared>>) dst(%dma_wait3A_35 : memref<625x16xf32, #tpu.memory_space<hbm>>)
        tpu.yield
      }) : () -> ()
    } else {
    }
    return
  }
}

#map = affine_map<(d0, d1) -> (0, 0)>
#map1 = affine_map<(d0, d1) -> (0, 0, 0)>
module attributes {stable_mosaic.version = 14 : i64} {
  func.func @_sc_edge_agg(%arg0: i32, %arg1: i32, %arg2: memref<10000x128xf32, #tpu.memory_space<hbm>>, %arg3: memref<16x250x80xi32, #tpu.memory_space<hbm>>, %arg4: memref<16x250x80xi32, #tpu.memory_space<hbm>>, %arg5: memref<2x5000x128xf32, #tpu.memory_space<hbm>>, %arg6: memref<250x80xi32, #tpu.memory_space<vmem>>, %arg7: memref<250x80xi32, #tpu.memory_space<vmem>>, %arg8: memref<80x128xf32, #tpu.memory_space<vmem>>, %arg9: memref<80x128xf32, #tpu.memory_space<vmem>>, %arg10: memref<5120x128xf32, #tpu.memory_space<vmem_shared>>, %arg11: memref<!tpu.dma_semaphore, #tpu.memory_space<semaphore_mem>>, %arg12: memref<!tpu.dma_semaphore, #tpu.memory_space<semaphore_mem>>) attributes {dimension_semantics = [#tpu.dimension_semantics<core_parallel>, #tpu.dimension_semantics<subcore_parallel>], iteration_bounds = array<i64: 2, 16>, scalar_prefetch = 0 : i64, scratch_operands = 7 : i64, tpu.core_type = #tpu.core_type<sc_vector_subcore>, window_params = [{transform_indices = #map}, {transform_indices = #map1}, {transform_indices = #map1}, {transform_indices = #map1}]} {
    "tpu.region"() ({
      %run_scoped3A = tpu.sem_alloc : memref<!tpu.dma_semaphore, #tpu.memory_space<semaphore_mem>>
      %dma_start3A_40 = arith.constant 0 : i32
      %dma_start3A_41 = arith.constant 0 : i32
      %dma_start3A_42 = tpu.memref_slice %arg3[%arg1, %dma_start3A_40, %dma_start3A_41] : memref<16x250x80xi32, #tpu.memory_space<hbm>> -> memref<1x250x80xi32, #tpu.memory_space<hbm>>
      %dma_start3A_43 = tpu.memref_squeeze %dma_start3A_42 : memref<1x250x80xi32, #tpu.memory_space<hbm>> -> memref<250x80xi32, #tpu.memory_space<hbm>>
      %dma_start3A_44 = arith.constant 0 : i32
      %dma_start3A_45 = arith.constant 0 : i32
      %dma_start3A_46 = tpu.memref_slice %arg3[%arg1, %dma_start3A_44, %dma_start3A_45] : memref<16x250x80xi32, #tpu.memory_space<hbm>> -> memref<1x250x80xi32, #tpu.memory_space<hbm>>
      %dma_start3A_47 = tpu.memref_squeeze %dma_start3A_46 : memref<1x250x80xi32, #tpu.memory_space<hbm>> -> memref<250x80xi32, #tpu.memory_space<hbm>>
      tpu.enqueue_dma source(%dma_start3A_47 : memref<250x80xi32, #tpu.memory_space<hbm>>) target(%arg6 : memref<250x80xi32, #tpu.memory_space<vmem>>) target_semaphore(%run_scoped3A : memref<!tpu.dma_semaphore, #tpu.memory_space<semaphore_mem>>)
      %dma_wait3A = arith.constant 0 : i32
      %dma_wait3A_48 = arith.constant 0 : i32
      %dma_wait3A_49 = tpu.memref_slice %arg3[%arg1, %dma_wait3A, %dma_wait3A_48] : memref<16x250x80xi32, #tpu.memory_space<hbm>> -> memref<1x250x80xi32, #tpu.memory_space<hbm>>
      %dma_wait3A_50 = tpu.memref_squeeze %dma_wait3A_49 : memref<1x250x80xi32, #tpu.memory_space<hbm>> -> memref<250x80xi32, #tpu.memory_space<hbm>>
      %dma_wait3A_51 = arith.constant 0 : i32
      %dma_wait3A_52 = arith.constant 0 : i32
      %dma_wait3A_53 = tpu.memref_slice %arg3[%arg1, %dma_wait3A_51, %dma_wait3A_52] : memref<16x250x80xi32, #tpu.memory_space<hbm>> -> memref<1x250x80xi32, #tpu.memory_space<hbm>>
      %dma_wait3A_54 = tpu.memref_squeeze %dma_wait3A_53 : memref<1x250x80xi32, #tpu.memory_space<hbm>> -> memref<250x80xi32, #tpu.memory_space<hbm>>
      tpu.wait_dma2 semaphore(%run_scoped3A : memref<!tpu.dma_semaphore, #tpu.memory_space<semaphore_mem>>) src(%dma_wait3A_54 : memref<250x80xi32, #tpu.memory_space<hbm>>) dst(%arg6 : memref<250x80xi32, #tpu.memory_space<vmem>>)
      tpu.yield
    }) : () -> ()
    "tpu.region"() ({
      %run_scoped3A = tpu.sem_alloc : memref<!tpu.dma_semaphore, #tpu.memory_space<semaphore_mem>>
      %dma_start3A_40 = arith.constant 0 : i32
      %dma_start3A_41 = arith.constant 0 : i32
      %dma_start3A_42 = tpu.memref_slice %arg4[%arg1, %dma_start3A_40, %dma_start3A_41] : memref<16x250x80xi32, #tpu.memory_space<hbm>> -> memref<1x250x80xi32, #tpu.memory_space<hbm>>
      %dma_start3A_43 = tpu.memref_squeeze %dma_start3A_42 : memref<1x250x80xi32, #tpu.memory_space<hbm>> -> memref<250x80xi32, #tpu.memory_space<hbm>>
      %dma_start3A_44 = arith.constant 0 : i32
      %dma_start3A_45 = arith.constant 0 : i32
      %dma_start3A_46 = tpu.memref_slice %arg4[%arg1, %dma_start3A_44, %dma_start3A_45] : memref<16x250x80xi32, #tpu.memory_space<hbm>> -> memref<1x250x80xi32, #tpu.memory_space<hbm>>
      %dma_start3A_47 = tpu.memref_squeeze %dma_start3A_46 : memref<1x250x80xi32, #tpu.memory_space<hbm>> -> memref<250x80xi32, #tpu.memory_space<hbm>>
      tpu.enqueue_dma source(%dma_start3A_47 : memref<250x80xi32, #tpu.memory_space<hbm>>) target(%arg7 : memref<250x80xi32, #tpu.memory_space<vmem>>) target_semaphore(%run_scoped3A : memref<!tpu.dma_semaphore, #tpu.memory_space<semaphore_mem>>)
      %dma_wait3A = arith.constant 0 : i32
      %dma_wait3A_48 = arith.constant 0 : i32
      %dma_wait3A_49 = tpu.memref_slice %arg4[%arg1, %dma_wait3A, %dma_wait3A_48] : memref<16x250x80xi32, #tpu.memory_space<hbm>> -> memref<1x250x80xi32, #tpu.memory_space<hbm>>
      %dma_wait3A_50 = tpu.memref_squeeze %dma_wait3A_49 : memref<1x250x80xi32, #tpu.memory_space<hbm>> -> memref<250x80xi32, #tpu.memory_space<hbm>>
      %dma_wait3A_51 = arith.constant 0 : i32
      %dma_wait3A_52 = arith.constant 0 : i32
      %dma_wait3A_53 = tpu.memref_slice %arg4[%arg1, %dma_wait3A_51, %dma_wait3A_52] : memref<16x250x80xi32, #tpu.memory_space<hbm>> -> memref<1x250x80xi32, #tpu.memory_space<hbm>>
      %dma_wait3A_54 = tpu.memref_squeeze %dma_wait3A_53 : memref<1x250x80xi32, #tpu.memory_space<hbm>> -> memref<250x80xi32, #tpu.memory_space<hbm>>
      tpu.wait_dma2 semaphore(%run_scoped3A : memref<!tpu.dma_semaphore, #tpu.memory_space<semaphore_mem>>) src(%dma_wait3A_54 : memref<250x80xi32, #tpu.memory_space<hbm>>) dst(%arg7 : memref<250x80xi32, #tpu.memory_space<vmem>>)
      tpu.yield
    }) : () -> ()
    %broadcast_in_dim3A = arith.constant 0.000000e+00 : f32
    %broadcast_in_dim3A_0 = vector.broadcast %broadcast_in_dim3A : f32 to vector<16xf32>
    %scan3A = arith.constant 0 : i32
    %scan3A_1 = arith.constant 80 : i32
    %scan3A_2 = arith.addi %scan3A, %scan3A_1 : i32
    %scan3A_3 = arith.constant 1 : i32
    scf.for %scan3A_40 = %scan3A to %scan3A_2 step %scan3A_3  : i32 {
      %mul3A_41 = arith.constant 1 : i32
      %mul3A_42 = arith.muli %scan3A_40, %mul3A_41 : i32
      %add3A_43 = arith.constant 0 : i32
      %add3A_44 = arith.addi %add3A_43, %mul3A_42 : i32
      %scan3A_45 = arith.constant 0 : i32
      %scan3A_46 = arith.constant 8 : i32
      %scan3A_47 = arith.addi %scan3A_45, %scan3A_46 : i32
      %scan3A_48 = arith.constant 1 : i32
      scf.for %scan3A_50 = %scan3A_45 to %scan3A_47 step %scan3A_48  : i32 {
        %mul3A_51 = arith.constant 16 : i32
        %mul3A_52 = arith.muli %scan3A_50, %mul3A_51 : i32
        %add3A_53 = arith.constant 0 : i32
        %add3A_54 = arith.addi %add3A_53, %mul3A_52 : i32
        %swap3A = arith.index_cast %add3A_44 : i32 to index
        %swap3A_55 = arith.index_cast %add3A_54 : i32 to index
        %swap3A_56 = tpu.vector_load %arg8[%swap3A, %swap3A_55] {strides = array<i32>} : memref<80x128xf32, #tpu.memory_space<vmem>>, vector<16xf32>,
        tpu.vector_store %arg8[%swap3A, %swap3A_55], %broadcast_in_dim3A_0 {strides = array<i32>} : memref<80x128xf32, #tpu.memory_space<vmem>>, vector<16xf32>,
      }
      %scan3A_49 = arith.constant 8 : i32
    }
    %scan3A_4 = arith.constant 80 : i32
    %scan3A_5 = arith.constant 0 : i32
    %scan3A_6 = arith.constant 4 : i32
    %scan3A_7 = arith.addi %scan3A_5, %scan3A_6 : i32
    %scan3A_8 = arith.constant 1 : i32
    scf.for %scan3A_40 = %scan3A_5 to %scan3A_7 step %scan3A_8  : i32 {
      %mul3A_41 = arith.constant 80 : i32
      %mul3A_42 = arith.muli %scan3A_40, %mul3A_41 : i32
      %add3A_43 = arith.constant 0 : i32
      %add3A_44 = arith.addi %add3A_43, %mul3A_42 : i32
      %mul3A_45 = arith.constant 320 : i32
      %mul3A_46 = arith.muli %arg1, %mul3A_45 : i32
      %add3A_47 = arith.addi %mul3A_46, %add3A_44 : i32
      "tpu.region"() ({
        %run_scoped3A = tpu.sem_alloc : memref<!tpu.dma_semaphore, #tpu.memory_space<semaphore_mem>>
        %dma_start3A_48 = arith.constant 0 : i32
        %dma_start3A_49 = tpu.memref_slice %arg10[%add3A_47, %dma_start3A_48] : memref<5120x128xf32, #tpu.memory_space<vmem_shared>> -> memref<80x128xf32, #tpu.memory_space<vmem_shared>>
        %dma_start3A_50 = arith.constant 0 : i32
        %dma_start3A_51 = tpu.memref_slice %arg10[%add3A_47, %dma_start3A_50] : memref<5120x128xf32, #tpu.memory_space<vmem_shared>> -> memref<80x128xf32, #tpu.memory_space<vmem_shared>>
        tpu.enqueue_dma source(%arg8 : memref<80x128xf32, #tpu.memory_space<vmem>>) target(%dma_start3A_51 : memref<80x128xf32, #tpu.memory_space<vmem_shared>>) target_semaphore(%run_scoped3A : memref<!tpu.dma_semaphore, #tpu.memory_space<semaphore_mem>>)
        %dma_wait3A = arith.constant 0 : i32
        %dma_wait3A_52 = tpu.memref_slice %arg10[%add3A_47, %dma_wait3A] : memref<5120x128xf32, #tpu.memory_space<vmem_shared>> -> memref<80x128xf32, #tpu.memory_space<vmem_shared>>
        %dma_wait3A_53 = arith.constant 0 : i32
        %dma_wait3A_54 = tpu.memref_slice %arg10[%add3A_47, %dma_wait3A_53] : memref<5120x128xf32, #tpu.memory_space<vmem_shared>> -> memref<80x128xf32, #tpu.memory_space<vmem_shared>>
        tpu.wait_dma2 semaphore(%run_scoped3A : memref<!tpu.dma_semaphore, #tpu.memory_space<semaphore_mem>>) src(%arg8 : memref<80x128xf32, #tpu.memory_space<vmem>>) dst(%dma_wait3A_54 : memref<80x128xf32, #tpu.memory_space<vmem_shared>>)
        tpu.yield
      }) : () -> ()
    }
    %scan3A_9 = arith.constant 4 : i32
    %broadcast_in_dim3A_10 = arith.constant 0 : i32
    %broadcast_in_dim3A_11 = vector.broadcast %broadcast_in_dim3A_10 : i32 to vector<16xi32>
    %mul3A = arith.constant 5000 : i32
    %mul3A_12 = arith.muli %arg0, %mul3A : i32
    %add3A = vector.broadcast %mul3A_12 : i32 to vector<16xi32>
    %add3A_13 = arith.addi %broadcast_in_dim3A_11, %add3A : vector<16xi32>
    %add3A_14 = arith.constant 5000 : i32
    %add3A_15 = vector.broadcast %add3A_14 : i32 to vector<16xi32>
    %add3A_16 = arith.addi %add3A_13, %add3A_15 : vector<16xi32>
    %broadcast_in_dim3A_17 = arith.constant 5000 : i32
    %broadcast_in_dim3A_18 = vector.broadcast %broadcast_in_dim3A_17 : i32 to vector<16xi32>
    %broadcast_in_dim3A_19 = arith.constant 63 : i32
    %broadcast_in_dim3A_20 = vector.broadcast %broadcast_in_dim3A_19 : i32 to vector<16xi32>
    %scan3A_21 = arith.constant 0 : i32
    %scan3A_22 = arith.constant 250 : i32
    %scan3A_23 = arith.addi %scan3A_21, %scan3A_22 : i32
    %scan3A_24 = arith.constant 1 : i32
    scf.for %scan3A_40 = %scan3A_21 to %scan3A_23 step %scan3A_24  : i32 {
      %mul3A_41 = arith.constant 1 : i32
      %mul3A_42 = arith.muli %scan3A_40, %mul3A_41 : i32
      %add3A_43 = arith.constant 0 : i32
      %add3A_44 = arith.addi %add3A_43, %mul3A_42 : i32
      %scan3A_45 = arith.constant 0 : i32
      %scan3A_46 = arith.constant 5 : i32
      %scan3A_47 = arith.addi %scan3A_45, %scan3A_46 : i32
      %scan3A_48 = arith.constant 1 : i32
      scf.for %scan3A_50 = %scan3A_45 to %scan3A_47 step %scan3A_48  : i32 {
        %mul3A_51 = arith.constant 16 : i32
        %mul3A_52 = arith.muli %scan3A_50, %mul3A_51 : i32
        %add3A_53 = arith.constant 0 : i32
        %add3A_54 = arith.addi %add3A_53, %mul3A_52 : i32
        %get3A = arith.index_cast %add3A_44 : i32 to index
        %get3A_55 = arith.index_cast %add3A_54 : i32 to index
        %get3A_56 = tpu.vector_load %arg7[%get3A, %get3A_55] {strides = array<i32>} : memref<250x80xi32, #tpu.memory_space<vmem>>, vector<16xi32>,
        %ge3A = arith.cmpi sge, %get3A_56, %add3A_13 : vector<16xi32>
        %lt3A_57 = arith.cmpi slt, %get3A_56, %add3A_16 : vector<16xi32>
        %and3A = arith.andi %ge3A, %lt3A_57 : vector<16xi1>
        %sub3A = arith.subi %get3A_56, %add3A_13 : vector<16xi32>
        %and3A_58 = arith.andi %get3A_56, %broadcast_in_dim3A_20 : vector<16xi32>
        %add3A_59 = arith.addi %broadcast_in_dim3A_18, %and3A_58 : vector<16xi32>
        %select_n3A = arith.select %and3A, %sub3A, %add3A_59 : vector<16xi1>, vector<16xi32>
        %swap3A = arith.index_cast %add3A_44 : i32 to index
        %swap3A_60 = arith.index_cast %add3A_54 : i32 to index
        %swap3A_61 = tpu.vector_load %arg7[%swap3A, %swap3A_60] {strides = array<i32>} : memref<250x80xi32, #tpu.memory_space<vmem>>, vector<16xi32>,
        tpu.vector_store %arg7[%swap3A, %swap3A_60], %select_n3A {strides = array<i32>} : memref<250x80xi32, #tpu.memory_space<vmem>>, vector<16xi32>,
      }
      %scan3A_49 = arith.constant 5 : i32
    }
    %scan3A_25 = arith.constant 250 : i32
    %dma_start3A = arith.constant 0 : i32
    %dma_start3A_26 = arith.constant 0 : i32
    %dma_start3A_27 = tpu.memref_slice %arg6[%dma_start3A, %dma_start3A_26] : memref<250x80xi32, #tpu.memory_space<vmem>> -> memref<1x80xi32, #tpu.memory_space<vmem>>
    %dma_start3A_28 = tpu.memref_squeeze %dma_start3A_27 : memref<1x80xi32, #tpu.memory_space<vmem>> -> memref<80xi32, #tpu.memory_space<vmem>>
    %dma_start3A_29 = arith.constant 0 : i32
    %dma_start3A_30 = arith.constant 0 : i32
    %dma_start3A_31 = tpu.memref_slice %arg2[%dma_start3A_29, %dma_start3A_30] : memref<10000x128xf32, #tpu.memory_space<hbm>> -> memref<10000x128xf32, #tpu.memory_space<hbm>>
    tpu.enqueue_indirect_dma source(%dma_start3A_31 : memref<10000x128xf32, #tpu.memory_space<hbm>>) target(%arg8 : memref<80x128xf32, #tpu.memory_space<vmem>>) offsets(%dma_start3A_28 : memref<80xi32, #tpu.memory_space<vmem>>) semaphore(%arg11 : memref<!tpu.dma_semaphore, #tpu.memory_space<semaphore_mem>>)
    %barrier3A = arith.constant 0 : index
    tpu.barrier barrier_id(%barrier3A)
    %scan3A_32 = arith.constant 0 : i32
    %scan3A_33 = arith.constant 125 : i32
    %scan3A_34 = arith.addi %scan3A_32, %scan3A_33 : i32
    %scan3A_35 = arith.constant 1 : i32
    scf.for %scan3A_40 = %scan3A_32 to %scan3A_34 step %scan3A_35  : i32 {
      %mul3A_41 = arith.constant 2 : i32
      %mul3A_42 = arith.muli %scan3A_40, %mul3A_41 : i32
      %add3A_43 = arith.constant 0 : i32
      %add3A_44 = arith.addi %add3A_43, %mul3A_42 : i32
      %add3A_45 = arith.constant 1 : i32
      %add3A_46 = arith.addi %add3A_44, %add3A_45 : i32
      %dma_start3A_47 = arith.constant 0 : i32
      %dma_start3A_48 = tpu.memref_slice %arg6[%add3A_46, %dma_start3A_47] : memref<250x80xi32, #tpu.memory_space<vmem>> -> memref<1x80xi32, #tpu.memory_space<vmem>>
      %dma_start3A_49 = tpu.memref_squeeze %dma_start3A_48 : memref<1x80xi32, #tpu.memory_space<vmem>> -> memref<80xi32, #tpu.memory_space<vmem>>
      %dma_start3A_50 = arith.constant 0 : i32
      %dma_start3A_51 = arith.constant 0 : i32
      %dma_start3A_52 = tpu.memref_slice %arg2[%dma_start3A_50, %dma_start3A_51] : memref<10000x128xf32, #tpu.memory_space<hbm>> -> memref<10000x128xf32, #tpu.memory_space<hbm>>
      tpu.enqueue_indirect_dma source(%dma_start3A_52 : memref<10000x128xf32, #tpu.memory_space<hbm>>) target(%arg9 : memref<80x128xf32, #tpu.memory_space<vmem>>) offsets(%dma_start3A_49 : memref<80xi32, #tpu.memory_space<vmem>>) semaphore(%arg12 : memref<!tpu.dma_semaphore, #tpu.memory_space<semaphore_mem>>)
      %dma_wait3A = arith.constant 0 : i32
      %dma_wait3A_53 = tpu.memref_slice %arg6[%add3A_44, %dma_wait3A] : memref<250x80xi32, #tpu.memory_space<vmem>> -> memref<1x80xi32, #tpu.memory_space<vmem>>
      %dma_wait3A_54 = tpu.memref_squeeze %dma_wait3A_53 : memref<1x80xi32, #tpu.memory_space<vmem>> -> memref<80xi32, #tpu.memory_space<vmem>>
      %dma_wait3A_55 = arith.constant 0 : i32
      %dma_wait3A_56 = arith.constant 0 : i32
      %dma_wait3A_57 = tpu.memref_slice %arg2[%dma_wait3A_55, %dma_wait3A_56] : memref<10000x128xf32, #tpu.memory_space<hbm>> -> memref<10000x128xf32, #tpu.memory_space<hbm>>
      tpu.wait_indirect_dma semaphore(%arg11 : memref<!tpu.dma_semaphore, #tpu.memory_space<semaphore_mem>>) src(%dma_wait3A_57 : memref<10000x128xf32, #tpu.memory_space<hbm>>) dst(%arg8 : memref<80x128xf32, #tpu.memory_space<vmem>>)
      "tpu.region"() ({
        %run_scoped3A = tpu.sem_alloc : memref<!tpu.dma_semaphore, #tpu.memory_space<semaphore_mem>>
        %dma_start3A_75 = arith.constant 0 : i32
        %dma_start3A_76 = tpu.memref_slice %arg7[%add3A_44, %dma_start3A_75] : memref<250x80xi32, #tpu.memory_space<vmem>> -> memref<1x80xi32, #tpu.memory_space<vmem>>
        %dma_start3A_77 = tpu.memref_squeeze %dma_start3A_76 : memref<1x80xi32, #tpu.memory_space<vmem>> -> memref<80xi32, #tpu.memory_space<vmem>>
        %dma_start3A_78 = arith.constant 0 : i32
        %dma_start3A_79 = arith.constant 0 : i32
        %dma_start3A_80 = tpu.memref_slice %arg10[%dma_start3A_78, %dma_start3A_79] : memref<5120x128xf32, #tpu.memory_space<vmem_shared>> -> memref<5120x128xf32, #tpu.memory_space<vmem_shared>>
        tpu.enqueue_indirect_dma source(%arg8 : memref<80x128xf32, #tpu.memory_space<vmem>>) target(%dma_start3A_80 : memref<5120x128xf32, #tpu.memory_space<vmem_shared>>) offsets(%dma_start3A_77 : memref<80xi32, #tpu.memory_space<vmem>>) semaphore(%run_scoped3A : memref<!tpu.dma_semaphore, #tpu.memory_space<semaphore_mem>>) {add = true}
        %dma_wait3A_81 = arith.constant 0 : i32
        %dma_wait3A_82 = tpu.memref_slice %arg7[%add3A_44, %dma_wait3A_81] : memref<250x80xi32, #tpu.memory_space<vmem>> -> memref<1x80xi32, #tpu.memory_space<vmem>>
        %dma_wait3A_83 = tpu.memref_squeeze %dma_wait3A_82 : memref<1x80xi32, #tpu.memory_space<vmem>> -> memref<80xi32, #tpu.memory_space<vmem>>
        %dma_wait3A_84 = arith.constant 0 : i32
        %dma_wait3A_85 = arith.constant 0 : i32
        %dma_wait3A_86 = tpu.memref_slice %arg10[%dma_wait3A_84, %dma_wait3A_85] : memref<5120x128xf32, #tpu.memory_space<vmem_shared>> -> memref<5120x128xf32, #tpu.memory_space<vmem_shared>>
        tpu.wait_indirect_dma semaphore(%run_scoped3A : memref<!tpu.dma_semaphore, #tpu.memory_space<semaphore_mem>>) src(%arg8 : memref<80x128xf32, #tpu.memory_space<vmem>>) dst(%dma_wait3A_86 : memref<5120x128xf32, #tpu.memory_space<vmem_shared>>)
        tpu.yield
      }) : () -> ()
      %add3A_58 = arith.constant 2 : i32
      %add3A_59 = arith.addi %add3A_44, %add3A_58 : i32
      %lt3A_60 = arith.constant 250 : i32
      %lt3A_61 = arith.cmpi slt, %add3A_59, %lt3A_60 : i32
      %convert_element_type3A_62 = arith.extui %lt3A_61 : i1 to i32
      %cond3A_63 = arith.constant 0 : i32
      %cond3A_64 = arith.cmpi ne, %convert_element_type3A_62, %cond3A_63 : i32
      scf.if %cond3A_64 {
        %add3A_75 = arith.constant 2 : i32
        %add3A_76 = arith.addi %add3A_44, %add3A_75 : i32
        %dma_start3A_77 = arith.constant 0 : i32
        %dma_start3A_78 = tpu.memref_slice %arg6[%add3A_76, %dma_start3A_77] : memref<250x80xi32, #tpu.memory_space<vmem>> -> memref<1x80xi32, #tpu.memory_space<vmem>>
        %dma_start3A_79 = tpu.memref_squeeze %dma_start3A_78 : memref<1x80xi32, #tpu.memory_space<vmem>> -> memref<80xi32, #tpu.memory_space<vmem>>
        %dma_start3A_80 = arith.constant 0 : i32
        %dma_start3A_81 = arith.constant 0 : i32
        %dma_start3A_82 = tpu.memref_slice %arg2[%dma_start3A_80, %dma_start3A_81] : memref<10000x128xf32, #tpu.memory_space<hbm>> -> memref<10000x128xf32, #tpu.memory_space<hbm>>
        tpu.enqueue_indirect_dma source(%dma_start3A_82 : memref<10000x128xf32, #tpu.memory_space<hbm>>) target(%arg8 : memref<80x128xf32, #tpu.memory_space<vmem>>) offsets(%dma_start3A_79 : memref<80xi32, #tpu.memory_space<vmem>>) semaphore(%arg11 : memref<!tpu.dma_semaphore, #tpu.memory_space<semaphore_mem>>)
      } else {
      }
      %add3A_65 = arith.constant 1 : i32
      %add3A_66 = arith.addi %add3A_44, %add3A_65 : i32
      %dma_wait3A_67 = arith.constant 0 : i32
      %dma_wait3A_68 = tpu.memref_slice %arg6[%add3A_66, %dma_wait3A_67] : memref<250x80xi32, #tpu.memory_space<vmem>> -> memref<1x80xi32, #tpu.memory_space<vmem>>
      %dma_wait3A_69 = tpu.memref_squeeze %dma_wait3A_68 : memref<1x80xi32, #tpu.memory_space<vmem>> -> memref<80xi32, #tpu.memory_space<vmem>>
      %dma_wait3A_70 = arith.constant 0 : i32
      %dma_wait3A_71 = arith.constant 0 : i32
      %dma_wait3A_72 = tpu.memref_slice %arg2[%dma_wait3A_70, %dma_wait3A_71] : memref<10000x128xf32, #tpu.memory_space<hbm>> -> memref<10000x128xf32, #tpu.memory_space<hbm>>
      tpu.wait_indirect_dma semaphore(%arg12 : memref<!tpu.dma_semaphore, #tpu.memory_space<semaphore_mem>>) src(%dma_wait3A_72 : memref<10000x128xf32, #tpu.memory_space<hbm>>) dst(%arg9 : memref<80x128xf32, #tpu.memory_space<vmem>>)
      %add3A_73 = arith.constant 1 : i32
      %add3A_74 = arith.addi %add3A_44, %add3A_73 : i32
      "tpu.region"() ({
        %run_scoped3A = tpu.sem_alloc : memref<!tpu.dma_semaphore, #tpu.memory_space<semaphore_mem>>
        %dma_start3A_75 = arith.constant 0 : i32
        %dma_start3A_76 = tpu.memref_slice %arg7[%add3A_74, %dma_start3A_75] : memref<250x80xi32, #tpu.memory_space<vmem>> -> memref<1x80xi32, #tpu.memory_space<vmem>>
        %dma_start3A_77 = tpu.memref_squeeze %dma_start3A_76 : memref<1x80xi32, #tpu.memory_space<vmem>> -> memref<80xi32, #tpu.memory_space<vmem>>
        %dma_start3A_78 = arith.constant 0 : i32
        %dma_start3A_79 = arith.constant 0 : i32
        %dma_start3A_80 = tpu.memref_slice %arg10[%dma_start3A_78, %dma_start3A_79] : memref<5120x128xf32, #tpu.memory_space<vmem_shared>> -> memref<5120x128xf32, #tpu.memory_space<vmem_shared>>
        tpu.enqueue_indirect_dma source(%arg9 : memref<80x128xf32, #tpu.memory_space<vmem>>) target(%dma_start3A_80 : memref<5120x128xf32, #tpu.memory_space<vmem_shared>>) offsets(%dma_start3A_77 : memref<80xi32, #tpu.memory_space<vmem>>) semaphore(%run_scoped3A : memref<!tpu.dma_semaphore, #tpu.memory_space<semaphore_mem>>) {add = true}
        %dma_wait3A_81 = arith.constant 0 : i32
        %dma_wait3A_82 = tpu.memref_slice %arg7[%add3A_74, %dma_wait3A_81] : memref<250x80xi32, #tpu.memory_space<vmem>> -> memref<1x80xi32, #tpu.memory_space<vmem>>
        %dma_wait3A_83 = tpu.memref_squeeze %dma_wait3A_82 : memref<1x80xi32, #tpu.memory_space<vmem>> -> memref<80xi32, #tpu.memory_space<vmem>>
        %dma_wait3A_84 = arith.constant 0 : i32
        %dma_wait3A_85 = arith.constant 0 : i32
        %dma_wait3A_86 = tpu.memref_slice %arg10[%dma_wait3A_84, %dma_wait3A_85] : memref<5120x128xf32, #tpu.memory_space<vmem_shared>> -> memref<5120x128xf32, #tpu.memory_space<vmem_shared>>
        tpu.wait_indirect_dma semaphore(%run_scoped3A : memref<!tpu.dma_semaphore, #tpu.memory_space<semaphore_mem>>) src(%arg9 : memref<80x128xf32, #tpu.memory_space<vmem>>) dst(%dma_wait3A_86 : memref<5120x128xf32, #tpu.memory_space<vmem_shared>>)
        tpu.yield
      }) : () -> ()
    }
    %scan3A_36 = arith.constant 125 : i32
    %barrier3A_37 = arith.constant 0 : index
    tpu.barrier barrier_id(%barrier3A_37)
    %lt3A = arith.constant 5 : i32
    %lt3A_38 = arith.cmpi slt, %arg1, %lt3A : i32
    %convert_element_type3A = arith.extui %lt3A_38 : i1 to i32
    %cond3A = arith.constant 0 : i32
    %cond3A_39 = arith.cmpi ne, %convert_element_type3A, %cond3A : i32
    scf.if %cond3A_39 {
      %mul3A_40 = arith.constant 1000 : i32
      %mul3A_41 = arith.muli %arg1, %mul3A_40 : i32
      %mul3A_42 = arith.constant 1000 : i32
      %mul3A_43 = arith.muli %arg1, %mul3A_42 : i32
      "tpu.region"() ({
        %run_scoped3A = tpu.sem_alloc : memref<!tpu.dma_semaphore, #tpu.memory_space<semaphore_mem>>
        %dma_start3A_44 = arith.constant 0 : i32
        %dma_start3A_45 = tpu.memref_slice %arg5[%arg0, %mul3A_43, %dma_start3A_44] : memref<2x5000x128xf32, #tpu.memory_space<hbm>> -> memref<1x1000x128xf32, #tpu.memory_space<hbm>>
        %dma_start3A_46 = tpu.memref_squeeze %dma_start3A_45 : memref<1x1000x128xf32, #tpu.memory_space<hbm>> -> memref<1000x128xf32, #tpu.memory_space<hbm>>
        %dma_start3A_47 = arith.constant 0 : i32
        %dma_start3A_48 = tpu.memref_slice %arg10[%mul3A_41, %dma_start3A_47] : memref<5120x128xf32, #tpu.memory_space<vmem_shared>> -> memref<1000x128xf32, #tpu.memory_space<vmem_shared>>
        tpu.enqueue_dma source(%dma_start3A_48 : memref<1000x128xf32, #tpu.memory_space<vmem_shared>>) target(%dma_start3A_46 : memref<1000x128xf32, #tpu.memory_space<hbm>>) target_semaphore(%run_scoped3A : memref<!tpu.dma_semaphore, #tpu.memory_space<semaphore_mem>>)
        %dma_wait3A = arith.constant 0 : i32
        %dma_wait3A_49 = tpu.memref_slice %arg5[%arg0, %mul3A_43, %dma_wait3A] : memref<2x5000x128xf32, #tpu.memory_space<hbm>> -> memref<1x1000x128xf32, #tpu.memory_space<hbm>>
        %dma_wait3A_50 = tpu.memref_squeeze %dma_wait3A_49 : memref<1x1000x128xf32, #tpu.memory_space<hbm>> -> memref<1000x128xf32, #tpu.memory_space<hbm>>
        %dma_wait3A_51 = arith.constant 0 : i32
        %dma_wait3A_52 = tpu.memref_slice %arg10[%mul3A_41, %dma_wait3A_51] : memref<5120x128xf32, #tpu.memory_space<vmem_shared>> -> memref<1000x128xf32, #tpu.memory_space<vmem_shared>>
        tpu.wait_dma2 semaphore(%run_scoped3A : memref<!tpu.dma_semaphore, #tpu.memory_space<semaphore_mem>>) src(%dma_wait3A_52 : memref<1000x128xf32, #tpu.memory_space<vmem_shared>>) dst(%dma_wait3A_50 : memref<1000x128xf32, #tpu.memory_space<hbm>>)
        tpu.yield
      }) : () -> ()
    } else {
    }
    return
  }
}

#map = affine_map<(d0, d1) -> (0, 0)>
#map1 = affine_map<(d0, d1) -> (0, 0, 0)>
module attributes {stable_mosaic.version = 14 : i64} {
  func.func @_sc_edge_agg(%arg0: i32, %arg1: i32, %arg2: memref<10000x128xf32, #tpu.memory_space<hbm>>, %arg3: memref<16x250x80xi32, #tpu.memory_space<hbm>>, %arg4: memref<16x250x80xi32, #tpu.memory_space<hbm>>, %arg5: memref<2x5000x128xf32, #tpu.memory_space<hbm>>, %arg6: memref<250x80xi32, #tpu.memory_space<vmem>>, %arg7: memref<250x80xi32, #tpu.memory_space<vmem>>, %arg8: memref<80x128xf32, #tpu.memory_space<vmem>>, %arg9: memref<80x128xf32, #tpu.memory_space<vmem>>, %arg10: memref<5120x128xf32, #tpu.memory_space<vmem_shared>>, %arg11: memref<!tpu.dma_semaphore, #tpu.memory_space<semaphore_mem>>, %arg12: memref<!tpu.dma_semaphore, #tpu.memory_space<semaphore_mem>>) attributes {dimension_semantics = [#tpu.dimension_semantics<core_parallel>, #tpu.dimension_semantics<subcore_parallel>], iteration_bounds = array<i64: 2, 16>, scalar_prefetch = 0 : i64, scratch_operands = 7 : i64, tpu.core_type = #tpu.core_type<sc_vector_subcore>, window_params = [{transform_indices = #map}, {transform_indices = #map1}, {transform_indices = #map1}, {transform_indices = #map1}]} {
    "tpu.region"() ({
      %run_scoped3A = tpu.sem_alloc : memref<!tpu.dma_semaphore, #tpu.memory_space<semaphore_mem>>
      %dma_start3A_40 = arith.constant 0 : i32
      %dma_start3A_41 = arith.constant 0 : i32
      %dma_start3A_42 = tpu.memref_slice %arg3[%arg1, %dma_start3A_40, %dma_start3A_41] : memref<16x250x80xi32, #tpu.memory_space<hbm>> -> memref<1x250x80xi32, #tpu.memory_space<hbm>>
      %dma_start3A_43 = tpu.memref_squeeze %dma_start3A_42 : memref<1x250x80xi32, #tpu.memory_space<hbm>> -> memref<250x80xi32, #tpu.memory_space<hbm>>
      %dma_start3A_44 = arith.constant 0 : i32
      %dma_start3A_45 = arith.constant 0 : i32
      %dma_start3A_46 = tpu.memref_slice %arg3[%arg1, %dma_start3A_44, %dma_start3A_45] : memref<16x250x80xi32, #tpu.memory_space<hbm>> -> memref<1x250x80xi32, #tpu.memory_space<hbm>>
      %dma_start3A_47 = tpu.memref_squeeze %dma_start3A_46 : memref<1x250x80xi32, #tpu.memory_space<hbm>> -> memref<250x80xi32, #tpu.memory_space<hbm>>
      tpu.enqueue_dma source(%dma_start3A_47 : memref<250x80xi32, #tpu.memory_space<hbm>>) target(%arg6 : memref<250x80xi32, #tpu.memory_space<vmem>>) target_semaphore(%run_scoped3A : memref<!tpu.dma_semaphore, #tpu.memory_space<semaphore_mem>>)
      %dma_wait3A = arith.constant 0 : i32
      %dma_wait3A_48 = arith.constant 0 : i32
      %dma_wait3A_49 = tpu.memref_slice %arg3[%arg1, %dma_wait3A, %dma_wait3A_48] : memref<16x250x80xi32, #tpu.memory_space<hbm>> -> memref<1x250x80xi32, #tpu.memory_space<hbm>>
      %dma_wait3A_50 = tpu.memref_squeeze %dma_wait3A_49 : memref<1x250x80xi32, #tpu.memory_space<hbm>> -> memref<250x80xi32, #tpu.memory_space<hbm>>
      %dma_wait3A_51 = arith.constant 0 : i32
      %dma_wait3A_52 = arith.constant 0 : i32
      %dma_wait3A_53 = tpu.memref_slice %arg3[%arg1, %dma_wait3A_51, %dma_wait3A_52] : memref<16x250x80xi32, #tpu.memory_space<hbm>> -> memref<1x250x80xi32, #tpu.memory_space<hbm>>
      %dma_wait3A_54 = tpu.memref_squeeze %dma_wait3A_53 : memref<1x250x80xi32, #tpu.memory_space<hbm>> -> memref<250x80xi32, #tpu.memory_space<hbm>>
      tpu.wait_dma2 semaphore(%run_scoped3A : memref<!tpu.dma_semaphore, #tpu.memory_space<semaphore_mem>>) src(%dma_wait3A_54 : memref<250x80xi32, #tpu.memory_space<hbm>>) dst(%arg6 : memref<250x80xi32, #tpu.memory_space<vmem>>)
      tpu.yield
    }) : () -> ()
    "tpu.region"() ({
      %run_scoped3A = tpu.sem_alloc : memref<!tpu.dma_semaphore, #tpu.memory_space<semaphore_mem>>
      %dma_start3A_40 = arith.constant 0 : i32
      %dma_start3A_41 = arith.constant 0 : i32
      %dma_start3A_42 = tpu.memref_slice %arg4[%arg1, %dma_start3A_40, %dma_start3A_41] : memref<16x250x80xi32, #tpu.memory_space<hbm>> -> memref<1x250x80xi32, #tpu.memory_space<hbm>>
      %dma_start3A_43 = tpu.memref_squeeze %dma_start3A_42 : memref<1x250x80xi32, #tpu.memory_space<hbm>> -> memref<250x80xi32, #tpu.memory_space<hbm>>
      %dma_start3A_44 = arith.constant 0 : i32
      %dma_start3A_45 = arith.constant 0 : i32
      %dma_start3A_46 = tpu.memref_slice %arg4[%arg1, %dma_start3A_44, %dma_start3A_45] : memref<16x250x80xi32, #tpu.memory_space<hbm>> -> memref<1x250x80xi32, #tpu.memory_space<hbm>>
      %dma_start3A_47 = tpu.memref_squeeze %dma_start3A_46 : memref<1x250x80xi32, #tpu.memory_space<hbm>> -> memref<250x80xi32, #tpu.memory_space<hbm>>
      tpu.enqueue_dma source(%dma_start3A_47 : memref<250x80xi32, #tpu.memory_space<hbm>>) target(%arg7 : memref<250x80xi32, #tpu.memory_space<vmem>>) target_semaphore(%run_scoped3A : memref<!tpu.dma_semaphore, #tpu.memory_space<semaphore_mem>>)
      %dma_wait3A = arith.constant 0 : i32
      %dma_wait3A_48 = arith.constant 0 : i32
      %dma_wait3A_49 = tpu.memref_slice %arg4[%arg1, %dma_wait3A, %dma_wait3A_48] : memref<16x250x80xi32, #tpu.memory_space<hbm>> -> memref<1x250x80xi32, #tpu.memory_space<hbm>>
      %dma_wait3A_50 = tpu.memref_squeeze %dma_wait3A_49 : memref<1x250x80xi32, #tpu.memory_space<hbm>> -> memref<250x80xi32, #tpu.memory_space<hbm>>
      %dma_wait3A_51 = arith.constant 0 : i32
      %dma_wait3A_52 = arith.constant 0 : i32
      %dma_wait3A_53 = tpu.memref_slice %arg4[%arg1, %dma_wait3A_51, %dma_wait3A_52] : memref<16x250x80xi32, #tpu.memory_space<hbm>> -> memref<1x250x80xi32, #tpu.memory_space<hbm>>
      %dma_wait3A_54 = tpu.memref_squeeze %dma_wait3A_53 : memref<1x250x80xi32, #tpu.memory_space<hbm>> -> memref<250x80xi32, #tpu.memory_space<hbm>>
      tpu.wait_dma2 semaphore(%run_scoped3A : memref<!tpu.dma_semaphore, #tpu.memory_space<semaphore_mem>>) src(%dma_wait3A_54 : memref<250x80xi32, #tpu.memory_space<hbm>>) dst(%arg7 : memref<250x80xi32, #tpu.memory_space<vmem>>)
      tpu.yield
    }) : () -> ()
    %broadcast_in_dim3A = arith.constant 0.000000e+00 : f32
    %broadcast_in_dim3A_0 = vector.broadcast %broadcast_in_dim3A : f32 to vector<16xf32>
    %scan3A = arith.constant 0 : i32
    %scan3A_1 = arith.constant 80 : i32
    %scan3A_2 = arith.addi %scan3A, %scan3A_1 : i32
    %scan3A_3 = arith.constant 1 : i32
    scf.for %scan3A_40 = %scan3A to %scan3A_2 step %scan3A_3  : i32 {
      %mul3A_41 = arith.constant 1 : i32
      %mul3A_42 = arith.muli %scan3A_40, %mul3A_41 : i32
      %add3A_43 = arith.constant 0 : i32
      %add3A_44 = arith.addi %add3A_43, %mul3A_42 : i32
      %scan3A_45 = arith.constant 0 : i32
      %scan3A_46 = arith.constant 8 : i32
      %scan3A_47 = arith.addi %scan3A_45, %scan3A_46 : i32
      %scan3A_48 = arith.constant 1 : i32
      scf.for %scan3A_50 = %scan3A_45 to %scan3A_47 step %scan3A_48  : i32 {
        %mul3A_51 = arith.constant 16 : i32
        %mul3A_52 = arith.muli %scan3A_50, %mul3A_51 : i32
        %add3A_53 = arith.constant 0 : i32
        %add3A_54 = arith.addi %add3A_53, %mul3A_52 : i32
        %swap3A = arith.index_cast %add3A_44 : i32 to index
        %swap3A_55 = arith.index_cast %add3A_54 : i32 to index
        %swap3A_56 = tpu.vector_load %arg8[%swap3A, %swap3A_55] {strides = array<i32>} : memref<80x128xf32, #tpu.memory_space<vmem>>, vector<16xf32>,
        tpu.vector_store %arg8[%swap3A, %swap3A_55], %broadcast_in_dim3A_0 {strides = array<i32>} : memref<80x128xf32, #tpu.memory_space<vmem>>, vector<16xf32>,
      }
      %scan3A_49 = arith.constant 8 : i32
    }
    %scan3A_4 = arith.constant 80 : i32
    %scan3A_5 = arith.constant 0 : i32
    %scan3A_6 = arith.constant 4 : i32
    %scan3A_7 = arith.addi %scan3A_5, %scan3A_6 : i32
    %scan3A_8 = arith.constant 1 : i32
    scf.for %scan3A_40 = %scan3A_5 to %scan3A_7 step %scan3A_8  : i32 {
      %mul3A_41 = arith.constant 80 : i32
      %mul3A_42 = arith.muli %scan3A_40, %mul3A_41 : i32
      %add3A_43 = arith.constant 0 : i32
      %add3A_44 = arith.addi %add3A_43, %mul3A_42 : i32
      %mul3A_45 = arith.constant 320 : i32
      %mul3A_46 = arith.muli %arg1, %mul3A_45 : i32
      %add3A_47 = arith.addi %mul3A_46, %add3A_44 : i32
      "tpu.region"() ({
        %run_scoped3A = tpu.sem_alloc : memref<!tpu.dma_semaphore, #tpu.memory_space<semaphore_mem>>
        %dma_start3A_48 = arith.constant 0 : i32
        %dma_start3A_49 = tpu.memref_slice %arg10[%add3A_47, %dma_start3A_48] : memref<5120x128xf32, #tpu.memory_space<vmem_shared>> -> memref<80x128xf32, #tpu.memory_space<vmem_shared>>
        %dma_start3A_50 = arith.constant 0 : i32
        %dma_start3A_51 = tpu.memref_slice %arg10[%add3A_47, %dma_start3A_50] : memref<5120x128xf32, #tpu.memory_space<vmem_shared>> -> memref<80x128xf32, #tpu.memory_space<vmem_shared>>
        tpu.enqueue_dma source(%arg8 : memref<80x128xf32, #tpu.memory_space<vmem>>) target(%dma_start3A_51 : memref<80x128xf32, #tpu.memory_space<vmem_shared>>) target_semaphore(%run_scoped3A : memref<!tpu.dma_semaphore, #tpu.memory_space<semaphore_mem>>)
        %dma_wait3A = arith.constant 0 : i32
        %dma_wait3A_52 = tpu.memref_slice %arg10[%add3A_47, %dma_wait3A] : memref<5120x128xf32, #tpu.memory_space<vmem_shared>> -> memref<80x128xf32, #tpu.memory_space<vmem_shared>>
        %dma_wait3A_53 = arith.constant 0 : i32
        %dma_wait3A_54 = tpu.memref_slice %arg10[%add3A_47, %dma_wait3A_53] : memref<5120x128xf32, #tpu.memory_space<vmem_shared>> -> memref<80x128xf32, #tpu.memory_space<vmem_shared>>
        tpu.wait_dma2 semaphore(%run_scoped3A : memref<!tpu.dma_semaphore, #tpu.memory_space<semaphore_mem>>) src(%arg8 : memref<80x128xf32, #tpu.memory_space<vmem>>) dst(%dma_wait3A_54 : memref<80x128xf32, #tpu.memory_space<vmem_shared>>)
        tpu.yield
      }) : () -> ()
    }
    %scan3A_9 = arith.constant 4 : i32
    %broadcast_in_dim3A_10 = arith.constant 0 : i32
    %broadcast_in_dim3A_11 = vector.broadcast %broadcast_in_dim3A_10 : i32 to vector<16xi32>
    %mul3A = arith.constant 5000 : i32
    %mul3A_12 = arith.muli %arg0, %mul3A : i32
    %add3A = vector.broadcast %mul3A_12 : i32 to vector<16xi32>
    %add3A_13 = arith.addi %broadcast_in_dim3A_11, %add3A : vector<16xi32>
    %add3A_14 = arith.constant 5000 : i32
    %add3A_15 = vector.broadcast %add3A_14 : i32 to vector<16xi32>
    %add3A_16 = arith.addi %add3A_13, %add3A_15 : vector<16xi32>
    %broadcast_in_dim3A_17 = arith.constant 5000 : i32
    %broadcast_in_dim3A_18 = vector.broadcast %broadcast_in_dim3A_17 : i32 to vector<16xi32>
    %broadcast_in_dim3A_19 = arith.constant 63 : i32
    %broadcast_in_dim3A_20 = vector.broadcast %broadcast_in_dim3A_19 : i32 to vector<16xi32>
    %scan3A_21 = arith.constant 0 : i32
    %scan3A_22 = arith.constant 250 : i32
    %scan3A_23 = arith.addi %scan3A_21, %scan3A_22 : i32
    %scan3A_24 = arith.constant 1 : i32
    scf.for %scan3A_40 = %scan3A_21 to %scan3A_23 step %scan3A_24  : i32 {
      %mul3A_41 = arith.constant 1 : i32
      %mul3A_42 = arith.muli %scan3A_40, %mul3A_41 : i32
      %add3A_43 = arith.constant 0 : i32
      %add3A_44 = arith.addi %add3A_43, %mul3A_42 : i32
      %scan3A_45 = arith.constant 0 : i32
      %scan3A_46 = arith.constant 5 : i32
      %scan3A_47 = arith.addi %scan3A_45, %scan3A_46 : i32
      %scan3A_48 = arith.constant 1 : i32
      scf.for %scan3A_50 = %scan3A_45 to %scan3A_47 step %scan3A_48  : i32 {
        %mul3A_51 = arith.constant 16 : i32
        %mul3A_52 = arith.muli %scan3A_50, %mul3A_51 : i32
        %add3A_53 = arith.constant 0 : i32
        %add3A_54 = arith.addi %add3A_53, %mul3A_52 : i32
        %get3A = arith.index_cast %add3A_44 : i32 to index
        %get3A_55 = arith.index_cast %add3A_54 : i32 to index
        %get3A_56 = tpu.vector_load %arg7[%get3A, %get3A_55] {strides = array<i32>} : memref<250x80xi32, #tpu.memory_space<vmem>>, vector<16xi32>,
        %ge3A = arith.cmpi sge, %get3A_56, %add3A_13 : vector<16xi32>
        %lt3A_57 = arith.cmpi slt, %get3A_56, %add3A_16 : vector<16xi32>
        %and3A = arith.andi %ge3A, %lt3A_57 : vector<16xi1>
        %sub3A = arith.subi %get3A_56, %add3A_13 : vector<16xi32>
        %and3A_58 = arith.andi %get3A_56, %broadcast_in_dim3A_20 : vector<16xi32>
        %add3A_59 = arith.addi %broadcast_in_dim3A_18, %and3A_58 : vector<16xi32>
        %select_n3A = arith.select %and3A, %sub3A, %add3A_59 : vector<16xi1>, vector<16xi32>
        %swap3A = arith.index_cast %add3A_44 : i32 to index
        %swap3A_60 = arith.index_cast %add3A_54 : i32 to index
        %swap3A_61 = tpu.vector_load %arg7[%swap3A, %swap3A_60] {strides = array<i32>} : memref<250x80xi32, #tpu.memory_space<vmem>>, vector<16xi32>,
        tpu.vector_store %arg7[%swap3A, %swap3A_60], %select_n3A {strides = array<i32>} : memref<250x80xi32, #tpu.memory_space<vmem>>, vector<16xi32>,
      }
      %scan3A_49 = arith.constant 5 : i32
    }
    %scan3A_25 = arith.constant 250 : i32
    %dma_start3A = arith.constant 0 : i32
    %dma_start3A_26 = arith.constant 0 : i32
    %dma_start3A_27 = tpu.memref_slice %arg6[%dma_start3A, %dma_start3A_26] : memref<250x80xi32, #tpu.memory_space<vmem>> -> memref<1x80xi32, #tpu.memory_space<vmem>>
    %dma_start3A_28 = tpu.memref_squeeze %dma_start3A_27 : memref<1x80xi32, #tpu.memory_space<vmem>> -> memref<80xi32, #tpu.memory_space<vmem>>
    %dma_start3A_29 = arith.constant 0 : i32
    %dma_start3A_30 = arith.constant 0 : i32
    %dma_start3A_31 = tpu.memref_slice %arg2[%dma_start3A_29, %dma_start3A_30] : memref<10000x128xf32, #tpu.memory_space<hbm>> -> memref<10000x128xf32, #tpu.memory_space<hbm>>
    tpu.enqueue_indirect_dma source(%dma_start3A_31 : memref<10000x128xf32, #tpu.memory_space<hbm>>) target(%arg8 : memref<80x128xf32, #tpu.memory_space<vmem>>) offsets(%dma_start3A_28 : memref<80xi32, #tpu.memory_space<vmem>>) semaphore(%arg11 : memref<!tpu.dma_semaphore, #tpu.memory_space<semaphore_mem>>)
    %barrier3A = arith.constant 0 : index
    tpu.barrier barrier_id(%barrier3A)
    %scan3A_32 = arith.constant 0 : i32
    %scan3A_33 = arith.constant 125 : i32
    %scan3A_34 = arith.addi %scan3A_32, %scan3A_33 : i32
    %scan3A_35 = arith.constant 1 : i32
    scf.for %scan3A_40 = %scan3A_32 to %scan3A_34 step %scan3A_35  : i32 {
      %mul3A_41 = arith.constant 2 : i32
      %mul3A_42 = arith.muli %scan3A_40, %mul3A_41 : i32
      %add3A_43 = arith.constant 0 : i32
      %add3A_44 = arith.addi %add3A_43, %mul3A_42 : i32
      %add3A_45 = arith.constant 1 : i32
      %add3A_46 = arith.addi %add3A_44, %add3A_45 : i32
      %dma_start3A_47 = arith.constant 0 : i32
      %dma_start3A_48 = tpu.memref_slice %arg6[%add3A_46, %dma_start3A_47] : memref<250x80xi32, #tpu.memory_space<vmem>> -> memref<1x80xi32, #tpu.memory_space<vmem>>
      %dma_start3A_49 = tpu.memref_squeeze %dma_start3A_48 : memref<1x80xi32, #tpu.memory_space<vmem>> -> memref<80xi32, #tpu.memory_space<vmem>>
      %dma_start3A_50 = arith.constant 0 : i32
      %dma_start3A_51 = arith.constant 0 : i32
      %dma_start3A_52 = tpu.memref_slice %arg2[%dma_start3A_50, %dma_start3A_51] : memref<10000x128xf32, #tpu.memory_space<hbm>> -> memref<10000x128xf32, #tpu.memory_space<hbm>>
      tpu.enqueue_indirect_dma source(%dma_start3A_52 : memref<10000x128xf32, #tpu.memory_space<hbm>>) target(%arg9 : memref<80x128xf32, #tpu.memory_space<vmem>>) offsets(%dma_start3A_49 : memref<80xi32, #tpu.memory_space<vmem>>) semaphore(%arg12 : memref<!tpu.dma_semaphore, #tpu.memory_space<semaphore_mem>>)
      %dma_wait3A = arith.constant 0 : i32
      %dma_wait3A_53 = tpu.memref_slice %arg6[%add3A_44, %dma_wait3A] : memref<250x80xi32, #tpu.memory_space<vmem>> -> memref<1x80xi32, #tpu.memory_space<vmem>>
      %dma_wait3A_54 = tpu.memref_squeeze %dma_wait3A_53 : memref<1x80xi32, #tpu.memory_space<vmem>> -> memref<80xi32, #tpu.memory_space<vmem>>
      %dma_wait3A_55 = arith.constant 0 : i32
      %dma_wait3A_56 = arith.constant 0 : i32
      %dma_wait3A_57 = tpu.memref_slice %arg2[%dma_wait3A_55, %dma_wait3A_56] : memref<10000x128xf32, #tpu.memory_space<hbm>> -> memref<10000x128xf32, #tpu.memory_space<hbm>>
      tpu.wait_indirect_dma semaphore(%arg11 : memref<!tpu.dma_semaphore, #tpu.memory_space<semaphore_mem>>) src(%dma_wait3A_57 : memref<10000x128xf32, #tpu.memory_space<hbm>>) dst(%arg8 : memref<80x128xf32, #tpu.memory_space<vmem>>)
      "tpu.region"() ({
        %run_scoped3A = tpu.sem_alloc : memref<!tpu.dma_semaphore, #tpu.memory_space<semaphore_mem>>
        %dma_start3A_75 = arith.constant 0 : i32
        %dma_start3A_76 = tpu.memref_slice %arg7[%add3A_44, %dma_start3A_75] : memref<250x80xi32, #tpu.memory_space<vmem>> -> memref<1x80xi32, #tpu.memory_space<vmem>>
        %dma_start3A_77 = tpu.memref_squeeze %dma_start3A_76 : memref<1x80xi32, #tpu.memory_space<vmem>> -> memref<80xi32, #tpu.memory_space<vmem>>
        %dma_start3A_78 = arith.constant 0 : i32
        %dma_start3A_79 = arith.constant 0 : i32
        %dma_start3A_80 = tpu.memref_slice %arg10[%dma_start3A_78, %dma_start3A_79] : memref<5120x128xf32, #tpu.memory_space<vmem_shared>> -> memref<5120x128xf32, #tpu.memory_space<vmem_shared>>
        tpu.enqueue_indirect_dma source(%arg8 : memref<80x128xf32, #tpu.memory_space<vmem>>) target(%dma_start3A_80 : memref<5120x128xf32, #tpu.memory_space<vmem_shared>>) offsets(%dma_start3A_77 : memref<80xi32, #tpu.memory_space<vmem>>) semaphore(%run_scoped3A : memref<!tpu.dma_semaphore, #tpu.memory_space<semaphore_mem>>) {add = true}
        %dma_wait3A_81 = arith.constant 0 : i32
        %dma_wait3A_82 = tpu.memref_slice %arg7[%add3A_44, %dma_wait3A_81] : memref<250x80xi32, #tpu.memory_space<vmem>> -> memref<1x80xi32, #tpu.memory_space<vmem>>
        %dma_wait3A_83 = tpu.memref_squeeze %dma_wait3A_82 : memref<1x80xi32, #tpu.memory_space<vmem>> -> memref<80xi32, #tpu.memory_space<vmem>>
        %dma_wait3A_84 = arith.constant 0 : i32
        %dma_wait3A_85 = arith.constant 0 : i32
        %dma_wait3A_86 = tpu.memref_slice %arg10[%dma_wait3A_84, %dma_wait3A_85] : memref<5120x128xf32, #tpu.memory_space<vmem_shared>> -> memref<5120x128xf32, #tpu.memory_space<vmem_shared>>
        tpu.wait_indirect_dma semaphore(%run_scoped3A : memref<!tpu.dma_semaphore, #tpu.memory_space<semaphore_mem>>) src(%arg8 : memref<80x128xf32, #tpu.memory_space<vmem>>) dst(%dma_wait3A_86 : memref<5120x128xf32, #tpu.memory_space<vmem_shared>>)
        tpu.yield
      }) : () -> ()
      %add3A_58 = arith.constant 2 : i32
      %add3A_59 = arith.addi %add3A_44, %add3A_58 : i32
      %lt3A_60 = arith.constant 250 : i32
      %lt3A_61 = arith.cmpi slt, %add3A_59, %lt3A_60 : i32
      %convert_element_type3A_62 = arith.extui %lt3A_61 : i1 to i32
      %cond3A_63 = arith.constant 0 : i32
      %cond3A_64 = arith.cmpi ne, %convert_element_type3A_62, %cond3A_63 : i32
      scf.if %cond3A_64 {
        %add3A_75 = arith.constant 2 : i32
        %add3A_76 = arith.addi %add3A_44, %add3A_75 : i32
        %dma_start3A_77 = arith.constant 0 : i32
        %dma_start3A_78 = tpu.memref_slice %arg6[%add3A_76, %dma_start3A_77] : memref<250x80xi32, #tpu.memory_space<vmem>> -> memref<1x80xi32, #tpu.memory_space<vmem>>
        %dma_start3A_79 = tpu.memref_squeeze %dma_start3A_78 : memref<1x80xi32, #tpu.memory_space<vmem>> -> memref<80xi32, #tpu.memory_space<vmem>>
        %dma_start3A_80 = arith.constant 0 : i32
        %dma_start3A_81 = arith.constant 0 : i32
        %dma_start3A_82 = tpu.memref_slice %arg2[%dma_start3A_80, %dma_start3A_81] : memref<10000x128xf32, #tpu.memory_space<hbm>> -> memref<10000x128xf32, #tpu.memory_space<hbm>>
        tpu.enqueue_indirect_dma source(%dma_start3A_82 : memref<10000x128xf32, #tpu.memory_space<hbm>>) target(%arg8 : memref<80x128xf32, #tpu.memory_space<vmem>>) offsets(%dma_start3A_79 : memref<80xi32, #tpu.memory_space<vmem>>) semaphore(%arg11 : memref<!tpu.dma_semaphore, #tpu.memory_space<semaphore_mem>>)
      } else {
      }
      %add3A_65 = arith.constant 1 : i32
      %add3A_66 = arith.addi %add3A_44, %add3A_65 : i32
      %dma_wait3A_67 = arith.constant 0 : i32
      %dma_wait3A_68 = tpu.memref_slice %arg6[%add3A_66, %dma_wait3A_67] : memref<250x80xi32, #tpu.memory_space<vmem>> -> memref<1x80xi32, #tpu.memory_space<vmem>>
      %dma_wait3A_69 = tpu.memref_squeeze %dma_wait3A_68 : memref<1x80xi32, #tpu.memory_space<vmem>> -> memref<80xi32, #tpu.memory_space<vmem>>
      %dma_wait3A_70 = arith.constant 0 : i32
      %dma_wait3A_71 = arith.constant 0 : i32
      %dma_wait3A_72 = tpu.memref_slice %arg2[%dma_wait3A_70, %dma_wait3A_71] : memref<10000x128xf32, #tpu.memory_space<hbm>> -> memref<10000x128xf32, #tpu.memory_space<hbm>>
      tpu.wait_indirect_dma semaphore(%arg12 : memref<!tpu.dma_semaphore, #tpu.memory_space<semaphore_mem>>) src(%dma_wait3A_72 : memref<10000x128xf32, #tpu.memory_space<hbm>>) dst(%arg9 : memref<80x128xf32, #tpu.memory_space<vmem>>)
      %add3A_73 = arith.constant 1 : i32
      %add3A_74 = arith.addi %add3A_44, %add3A_73 : i32
      "tpu.region"() ({
        %run_scoped3A = tpu.sem_alloc : memref<!tpu.dma_semaphore, #tpu.memory_space<semaphore_mem>>
        %dma_start3A_75 = arith.constant 0 : i32
        %dma_start3A_76 = tpu.memref_slice %arg7[%add3A_74, %dma_start3A_75] : memref<250x80xi32, #tpu.memory_space<vmem>> -> memref<1x80xi32, #tpu.memory_space<vmem>>
        %dma_start3A_77 = tpu.memref_squeeze %dma_start3A_76 : memref<1x80xi32, #tpu.memory_space<vmem>> -> memref<80xi32, #tpu.memory_space<vmem>>
        %dma_start3A_78 = arith.constant 0 : i32
        %dma_start3A_79 = arith.constant 0 : i32
        %dma_start3A_80 = tpu.memref_slice %arg10[%dma_start3A_78, %dma_start3A_79] : memref<5120x128xf32, #tpu.memory_space<vmem_shared>> -> memref<5120x128xf32, #tpu.memory_space<vmem_shared>>
        tpu.enqueue_indirect_dma source(%arg9 : memref<80x128xf32, #tpu.memory_space<vmem>>) target(%dma_start3A_80 : memref<5120x128xf32, #tpu.memory_space<vmem_shared>>) offsets(%dma_start3A_77 : memref<80xi32, #tpu.memory_space<vmem>>) semaphore(%run_scoped3A : memref<!tpu.dma_semaphore, #tpu.memory_space<semaphore_mem>>) {add = true}
        %dma_wait3A_81 = arith.constant 0 : i32
        %dma_wait3A_82 = tpu.memref_slice %arg7[%add3A_74, %dma_wait3A_81] : memref<250x80xi32, #tpu.memory_space<vmem>> -> memref<1x80xi32, #tpu.memory_space<vmem>>
        %dma_wait3A_83 = tpu.memref_squeeze %dma_wait3A_82 : memref<1x80xi32, #tpu.memory_space<vmem>> -> memref<80xi32, #tpu.memory_space<vmem>>
        %dma_wait3A_84 = arith.constant 0 : i32
        %dma_wait3A_85 = arith.constant 0 : i32
        %dma_wait3A_86 = tpu.memref_slice %arg10[%dma_wait3A_84, %dma_wait3A_85] : memref<5120x128xf32, #tpu.memory_space<vmem_shared>> -> memref<5120x128xf32, #tpu.memory_space<vmem_shared>>
        tpu.wait_indirect_dma semaphore(%run_scoped3A : memref<!tpu.dma_semaphore, #tpu.memory_space<semaphore_mem>>) src(%arg9 : memref<80x128xf32, #tpu.memory_space<vmem>>) dst(%dma_wait3A_86 : memref<5120x128xf32, #tpu.memory_space<vmem_shared>>)
        tpu.yield
      }) : () -> ()
    }
    %scan3A_36 = arith.constant 125 : i32
    %barrier3A_37 = arith.constant 0 : index
    tpu.barrier barrier_id(%barrier3A_37)
    %lt3A = arith.constant 5 : i32
    %lt3A_38 = arith.cmpi slt, %arg1, %lt3A : i32
    %convert_element_type3A = arith.extui %lt3A_38 : i1 to i32
    %cond3A = arith.constant 0 : i32
    %cond3A_39 = arith.cmpi ne, %convert_element_type3A, %cond3A : i32
    scf.if %cond3A_39 {
      %mul3A_40 = arith.constant 1000 : i32
      %mul3A_41 = arith.muli %arg1, %mul3A_40 : i32
      %mul3A_42 = arith.constant 1000 : i32
      %mul3A_43 = arith.muli %arg1, %mul3A_42 : i32
      "tpu.region"() ({
        %run_scoped3A = tpu.sem_alloc : memref<!tpu.dma_semaphore, #tpu.memory_space<semaphore_mem>>
        %dma_start3A_44 = arith.constant 0 : i32
        %dma_start3A_45 = tpu.memref_slice %arg5[%arg0, %mul3A_43, %dma_start3A_44] : memref<2x5000x128xf32, #tpu.memory_space<hbm>> -> memref<1x1000x128xf32, #tpu.memory_space<hbm>>
        %dma_start3A_46 = tpu.memref_squeeze %dma_start3A_45 : memref<1x1000x128xf32, #tpu.memory_space<hbm>> -> memref<1000x128xf32, #tpu.memory_space<hbm>>
        %dma_start3A_47 = arith.constant 0 : i32
        %dma_start3A_48 = tpu.memref_slice %arg10[%mul3A_41, %dma_start3A_47] : memref<5120x128xf32, #tpu.memory_space<vmem_shared>> -> memref<1000x128xf32, #tpu.memory_space<vmem_shared>>
        tpu.enqueue_dma source(%dma_start3A_48 : memref<1000x128xf32, #tpu.memory_space<vmem_shared>>) target(%dma_start3A_46 : memref<1000x128xf32, #tpu.memory_space<hbm>>) target_semaphore(%run_scoped3A : memref<!tpu.dma_semaphore, #tpu.memory_space<semaphore_mem>>)
        %dma_wait3A = arith.constant 0 : i32
        %dma_wait3A_49 = tpu.memref_slice %arg5[%arg0, %mul3A_43, %dma_wait3A] : memref<2x5000x128xf32, #tpu.memory_space<hbm>> -> memref<1x1000x128xf32, #tpu.memory_space<hbm>>
        %dma_wait3A_50 = tpu.memref_squeeze %dma_wait3A_49 : memref<1x1000x128xf32, #tpu.memory_space<hbm>> -> memref<1000x128xf32, #tpu.memory_space<hbm>>
        %dma_wait3A_51 = arith.constant 0 : i32
        %dma_wait3A_52 = tpu.memref_slice %arg10[%mul3A_41, %dma_wait3A_51] : memref<5120x128xf32, #tpu.memory_space<vmem_shared>> -> memref<1000x128xf32, #tpu.memory_space<vmem_shared>>
        tpu.wait_dma2 semaphore(%run_scoped3A : memref<!tpu.dma_semaphore, #tpu.memory_space<semaphore_mem>>) src(%dma_wait3A_52 : memref<1000x128xf32, #tpu.memory_space<vmem_shared>>) dst(%dma_wait3A_50 : memref<1000x128xf32, #tpu.memory_space<hbm>>)
        tpu.yield
      }) : () -> ()
    } else {
    }
    return
  }
}

module attributes {stable_mosaic.version = 14 : i64} {
  func.func @_mm_body(%arg0: memref<10000x128xf32, #tpu.memory_space<vmem>>, %arg1: memref<128x128xf32, #tpu.memory_space<vmem>>, %arg2: memref<10000x128xf32, #tpu.memory_space<vmem>>) attributes {dimension_semantics = [], scalar_prefetch = 0 : i64, scratch_operands = 0 : i64, tpu.core_type = #tpu.core_type<tc>} {
    %get3A = arith.constant 0 : index
    %get3A_0 = arith.constant 0 : index
    %get3A_1 = vector.load %arg0[%get3A, %get3A_0] : memref<10000x128xf32, #tpu.memory_space<vmem>>, vector<10000x128xf32>
    %get3A_2 = arith.constant 0 : index
    %get3A_3 = arith.constant 0 : index
    %get3A_4 = vector.load %arg1[%get3A_2, %get3A_3] : memref<128x128xf32, #tpu.memory_space<vmem>>, vector<128x128xf32>
    %dot_general3A = arith.constant dense<0.000000e+00> : vector<10000x128xf32>
    %dot_general3A_5 = tpu.matmul %get3A_1, %get3A_4, %dot_general3A {dimension_numbers = #tpu.dot_dimension_numbers<[1], [0], [0], [1], [0, 0, 1, 1], [], []>, transpose_lhs_hint = false} : vector<10000x128xf32>, vector<128x128xf32>, vector<10000x128xf32> -> vector<10000x128xf32>
    %swap3A = arith.constant 0 : index
    %swap3A_6 = arith.constant 0 : index
    %swap3A_7 = vector.load %arg2[%swap3A, %swap3A_6] : memref<10000x128xf32, #tpu.memory_space<vmem>>, vector<10000x128xf32>
    tpu.vector_store %arg2[%swap3A, %swap3A_6], %dot_general3A_5 {strides = array<i32>} : memref<10000x128xf32, #tpu.memory_space<vmem>>, vector<10000x128xf32>,
    return
  }
}

module attributes {stable_mosaic.version = 14 : i64} {
  func.func @_scale_body(%arg0: memref<10000x128xf32, #tpu.memory_space<vmem>>, %arg1: memref<10000x1xf32, #tpu.memory_space<vmem>>, %arg2: memref<10000x128xf32, #tpu.memory_space<vmem>>) attributes {dimension_semantics = [], scalar_prefetch = 0 : i64, scratch_operands = 0 : i64, tpu.core_type = #tpu.core_type<tc>} {
    %get3A = arith.constant 0 : index
    %get3A_0 = arith.constant 0 : index
    %get3A_1 = vector.load %arg0[%get3A, %get3A_0] : memref<10000x128xf32, #tpu.memory_space<vmem>>, vector<10000x128xf32>
    %get3A_2 = arith.constant 0 : index
    %get3A_3 = arith.constant 0 : index
    %get3A_4 = vector.load %arg1[%get3A_2, %get3A_3] : memref<10000x1xf32, #tpu.memory_space<vmem>>, vector<10000x1xf32>
    %rsqrt3A = math.rsqrt %get3A_4 : vector<10000x1xf32>
    %mul3A = vector.broadcast %rsqrt3A : vector<10000x1xf32> to vector<10000x128xf32>
    %mul3A_5 = arith.mulf %get3A_1, %mul3A : vector<10000x128xf32>
    %swap3A = arith.constant 0 : index
    %swap3A_6 = arith.constant 0 : index
    %swap3A_7 = vector.load %arg2[%swap3A, %swap3A_6] : memref<10000x128xf32, #tpu.memory_space<vmem>>, vector<10000x128xf32>
    tpu.vector_store %arg2[%swap3A, %swap3A_6], %mul3A_5 {strides = array<i32>} : memref<10000x128xf32, #tpu.memory_space<vmem>>, vector<10000x128xf32>,
    return
  }
}

module attributes {stable_mosaic.version = 14 : i64} {
  func.func @_mid_body(%arg0: memref<10000x128xf32, #tpu.memory_space<vmem>>, %arg1: memref<10000x128xf32, #tpu.memory_space<vmem>>, %arg2: memref<10000x1xf32, #tpu.memory_space<vmem>>, %arg3: memref<1x128xf32, #tpu.memory_space<vmem>>, %arg4: memref<1x128xf32, #tpu.memory_space<vmem>>, %arg5: memref<1x128xf32, #tpu.memory_space<vmem>>, %arg6: memref<128x128xf32, #tpu.memory_space<vmem>>, %arg7: memref<10000x128xf32, #tpu.memory_space<vmem>>) attributes {dimension_semantics = [], scalar_prefetch = 0 : i64, scratch_operands = 0 : i64, tpu.core_type = #tpu.core_type<tc>} {
    %get3A = arith.constant 0 : index
    %get3A_0 = arith.constant 0 : index
    %get3A_1 = vector.load %arg2[%get3A, %get3A_0] : memref<10000x1xf32, #tpu.memory_space<vmem>>, vector<10000x1xf32>
    %rsqrt3A = math.rsqrt %get3A_1 : vector<10000x1xf32>
    %get3A_2 = arith.constant 0 : index
    %get3A_3 = arith.constant 0 : index
    %get3A_4 = vector.load %arg0[%get3A_2, %get3A_3] : memref<10000x128xf32, #tpu.memory_space<vmem>>, vector<10000x128xf32>
    %get3A_5 = arith.constant 0 : index
    %get3A_6 = arith.constant 0 : index
    %get3A_7 = vector.load %arg1[%get3A_5, %get3A_6] : memref<10000x128xf32, #tpu.memory_space<vmem>>, vector<10000x128xf32>
    %add3A = arith.addf %get3A_4, %get3A_7 : vector<10000x128xf32>
    %mul3A = vector.broadcast %rsqrt3A : vector<10000x1xf32> to vector<10000x128xf32>
    %mul3A_8 = arith.mulf %add3A, %mul3A : vector<10000x128xf32>
    %get3A_9 = arith.constant 0 : index
    %get3A_10 = arith.constant 0 : index
    %get3A_11 = vector.load %arg3[%get3A_9, %get3A_10] : memref<1x128xf32, #tpu.memory_space<vmem>>, vector<1x128xf32>
    %add3A_12 = vector.broadcast %get3A_11 : vector<1x128xf32> to vector<10000x128xf32>
    %add3A_13 = arith.addf %mul3A_8, %add3A_12 : vector<10000x128xf32>
    %reduce_sum3A = arith.constant dense<0.000000e+00> : vector<128xf32>
    %reduce_sum3A_14 = vector.multi_reduction <add>, %add3A_13, %reduce_sum3A [0] : vector<10000x128xf32> to vector<128xf32>
    %broadcast_in_dim3A = vector.shape_cast %reduce_sum3A_14 : vector<128xf32> to vector<1x128xf32>
    %div3A = arith.constant 1.000000e+04 : f32
    %div3A_15 = vector.broadcast %div3A : f32 to vector<1x128xf32>
    %div3A_16 = arith.divf %broadcast_in_dim3A, %div3A_15 : vector<1x128xf32>
    %sub3A = vector.broadcast %div3A_16 : vector<1x128xf32> to vector<10000x128xf32>
    %sub3A_17 = arith.subf %add3A_13, %sub3A : vector<10000x128xf32>
    %square3A = arith.mulf %sub3A_17, %sub3A_17 : vector<10000x128xf32>
    %reduce_sum3A_18 = arith.constant dense<0.000000e+00> : vector<128xf32>
    %reduce_sum3A_19 = vector.multi_reduction <add>, %square3A, %reduce_sum3A_18 [0] : vector<10000x128xf32> to vector<128xf32>
    %broadcast_in_dim3A_20 = vector.shape_cast %reduce_sum3A_19 : vector<128xf32> to vector<1x128xf32>
    %div3A_21 = arith.constant 1.000000e+04 : f32
    %div3A_22 = vector.broadcast %div3A_21 : f32 to vector<1x128xf32>
    %div3A_23 = arith.divf %broadcast_in_dim3A_20, %div3A_22 : vector<1x128xf32>
    %sub3A_24 = vector.broadcast %div3A_16 : vector<1x128xf32> to vector<10000x128xf32>
    %sub3A_25 = arith.subf %add3A_13, %sub3A_24 : vector<10000x128xf32>
    %add3A_26 = arith.constant 9.99999974E-6 : f32
    %add3A_27 = vector.broadcast %add3A_26 : f32 to vector<1x128xf32>
    %add3A_28 = arith.addf %div3A_23, %add3A_27 : vector<1x128xf32>
    %rsqrt3A_29 = math.rsqrt %add3A_28 : vector<1x128xf32>
    %mul3A_30 = vector.broadcast %rsqrt3A_29 : vector<1x128xf32> to vector<10000x128xf32>
    %mul3A_31 = arith.mulf %sub3A_25, %mul3A_30 : vector<10000x128xf32>
    %get3A_32 = arith.constant 0 : index
    %get3A_33 = arith.constant 0 : index
    %get3A_34 = vector.load %arg4[%get3A_32, %get3A_33] : memref<1x128xf32, #tpu.memory_space<vmem>>, vector<1x128xf32>
    %mul3A_35 = vector.broadcast %get3A_34 : vector<1x128xf32> to vector<10000x128xf32>
    %mul3A_36 = arith.mulf %mul3A_31, %mul3A_35 : vector<10000x128xf32>
    %get3A_37 = arith.constant 0 : index
    %get3A_38 = arith.constant 0 : index
    %get3A_39 = vector.load %arg5[%get3A_37, %get3A_38] : memref<1x128xf32, #tpu.memory_space<vmem>>, vector<1x128xf32>
    %add3A_40 = vector.broadcast %get3A_39 : vector<1x128xf32> to vector<10000x128xf32>
    %add3A_41 = arith.addf %mul3A_36, %add3A_40 : vector<10000x128xf32>
    %max3A = arith.constant 0.000000e+00 : f32
    %max3A_42 = vector.broadcast %max3A : f32 to vector<10000x128xf32>
    %max3A_43 = arith.maximumf %add3A_41, %max3A_42 : vector<10000x128xf32>
    %get3A_44 = arith.constant 0 : index
    %get3A_45 = arith.constant 0 : index
    %get3A_46 = vector.load %arg6[%get3A_44, %get3A_45] : memref<128x128xf32, #tpu.memory_space<vmem>>, vector<128x128xf32>
    %dot_general3A = arith.constant dense<0.000000e+00> : vector<10000x128xf32>
    %dot_general3A_47 = tpu.matmul %max3A_43, %get3A_46, %dot_general3A {dimension_numbers = #tpu.dot_dimension_numbers<[1], [0], [0], [1], [0, 0, 1, 1], [], []>, transpose_lhs_hint = false} : vector<10000x128xf32>, vector<128x128xf32>, vector<10000x128xf32> -> vector<10000x128xf32>
    %mul3A_48 = vector.broadcast %rsqrt3A : vector<10000x1xf32> to vector<10000x128xf32>
    %mul3A_49 = arith.mulf %dot_general3A_47, %mul3A_48 : vector<10000x128xf32>
    %swap3A = arith.constant 0 : index
    %swap3A_50 = arith.constant 0 : index
    %swap3A_51 = vector.load %arg7[%swap3A, %swap3A_50] : memref<10000x128xf32, #tpu.memory_space<vmem>>, vector<10000x128xf32>
    tpu.vector_store %arg7[%swap3A, %swap3A_50], %mul3A_49 {strides = array<i32>} : memref<10000x128xf32, #tpu.memory_space<vmem>>, vector<10000x128xf32>,
    return
  }
}

module attributes {stable_mosaic.version = 14 : i64} {
  func.func @_fin_body(%arg0: memref<10000x128xf32, #tpu.memory_space<vmem>>, %arg1: memref<10000x128xf32, #tpu.memory_space<vmem>>, %arg2: memref<10000x1xf32, #tpu.memory_space<vmem>>, %arg3: memref<1x128xf32, #tpu.memory_space<vmem>>, %arg4: memref<10000x128xf32, #tpu.memory_space<vmem>>) attributes {dimension_semantics = [], scalar_prefetch = 0 : i64, scratch_operands = 0 : i64, tpu.core_type = #tpu.core_type<tc>} {
    %get3A = arith.constant 0 : index
    %get3A_0 = arith.constant 0 : index
    %get3A_1 = vector.load %arg0[%get3A, %get3A_0] : memref<10000x128xf32, #tpu.memory_space<vmem>>, vector<10000x128xf32>
    %get3A_2 = arith.constant 0 : index
    %get3A_3 = arith.constant 0 : index
    %get3A_4 = vector.load %arg1[%get3A_2, %get3A_3] : memref<10000x128xf32, #tpu.memory_space<vmem>>, vector<10000x128xf32>
    %add3A = arith.addf %get3A_1, %get3A_4 : vector<10000x128xf32>
    %get3A_5 = arith.constant 0 : index
    %get3A_6 = arith.constant 0 : index
    %get3A_7 = vector.load %arg2[%get3A_5, %get3A_6] : memref<10000x1xf32, #tpu.memory_space<vmem>>, vector<10000x1xf32>
    %rsqrt3A = math.rsqrt %get3A_7 : vector<10000x1xf32>
    %mul3A = vector.broadcast %rsqrt3A : vector<10000x1xf32> to vector<10000x128xf32>
    %mul3A_8 = arith.mulf %add3A, %mul3A : vector<10000x128xf32>
    %get3A_9 = arith.constant 0 : index
    %get3A_10 = arith.constant 0 : index
    %get3A_11 = vector.load %arg3[%get3A_9, %get3A_10] : memref<1x128xf32, #tpu.memory_space<vmem>>, vector<1x128xf32>
    %add3A_12 = vector.broadcast %get3A_11 : vector<1x128xf32> to vector<10000x128xf32>
    %add3A_13 = arith.addf %mul3A_8, %add3A_12 : vector<10000x128xf32>
    %swap3A = arith.constant 0 : index
    %swap3A_14 = arith.constant 0 : index
    %swap3A_15 = vector.load %arg4[%swap3A, %swap3A_14] : memref<10000x128xf32, #tpu.memory_space<vmem>>, vector<10000x128xf32>
    tpu.vector_store %arg4[%swap3A, %swap3A_14], %add3A_13 {strides = array<i32>} : memref<10000x128xf32, #tpu.memory_space<vmem>>, vector<10000x128xf32>,
    return
  }
}

</mosaic_0001>

<sc_bundles>
// kernel: kernel.12.cloned.1.call-start
scs
__scs_entry_jumppad:
0x0: {  	(pc) =	sbr.rel $0x88, $3  }
0x1: {  	(tag) =	ssettag $0x0;
	lr =	simm.s32 $0x1  }
0x2: {  	[smem:$0x3F99] =	sst lr;
	_ =	strace $0xD0000000  }
0x3: {  	_ = 	snop  }
0x4: {  	_ = 	snop  }
0x5: {  	_ = 	snop  }
0x6: {  	_ = 	snop  }
0x7: {  	_ = 	snop  }
__scs_overlays_trampoline_lowered:
0x8: {  	[smem:$0x3FA8] =	sst s0  }
0x9: {  	[smem:$0x3FA9] =	sst s1  }
0xa: {  	[smem:$0x3FAA] =	sst s2  }
0xb: {  	[smem:$0x3FAB] =	sst s3  }
0xc: {  	[smem:$0x3FAC] =	sst s4  }
0xd: {  	[smem:$0x3FAD] =	sst s5  }
0xe: {  	[smem:$0x3FAE] =	sst s6  }
0xf: {  	[smem:$0x3FAF] =	sst s7  }
0x10: {  	[smem:$0x3FB0] =	sst s8  }
0x11: {  	[smem:$0x3FB1] =	sst s9;
	s0 =	simm.s32 @!p0 $0x0  }
0x12: {  	s1 =	sld [smem:$0x3F97];
	s0 =	simm.s32 @p0 $0x1  }
0x13: {  	[smem:$0x3FB2] =	sst s0;
	s0 =	simm.s32 @!p1 $0x0  }
0x14: {  	s2 =	sld [smem:$0x3F96];
	s0 =	simm.s32 @p1 $0x1  }
0x15: {  	[smem:$0x3FB3] =	sst s0;
	s0 =	simm.s32 @!p2 $0x0  }
0x16: {  	s3 =	sld [smem:$0x3FDB];
	s0 =	simm.s32 @p2 $0x1  }
0x17: {  	s4 =	simm.s32 $0x1BF5;
	[smem:$0x3FB5] =	sst s0  }
0x18: {  	s0 =	sld [smem:$0x3F98];
	_ =	swait.ge [sflag:s4], $0x0  }
0x19: {  	s7 =	sld [smem:$0x3F99]  }
0x1a: {  	s8 =	sadd.s32 $0xFFFFE003, lr  }
0x1b: {  	s9 =	sadd.s32 $0xFFFFFEF7, lr;
	s5 =	simm.s32 $0xFFFFFFFF;
	p2 =	slt.u32 s8, $0xFFFFF086  }
0x1c: {  	p1 =	slt.u32 s9, $0xF7A;
	s5 =	simm.s32 @!p2 $0x0  }
0x1d: {  	s5 =	simm.s32 @p1 $0x1;
	p0 =	seq.s32 s7, s2  }
0x1e: {  	s7 =	smul.u32 @!p0 $0xF7A, s2;
	p2 =	seq.s32 @!p0 s5, $0x0  }
0x1f: {  	s9 =	smul.u32 $0xF7A, s1;
	s8 =	simm.s32 @!p0 $0x1BF5;
	p2 =	por !p2, p0  }
0x20: {  	[sflag:s8] =	ssyncset.s32 @!p0 $0xFFFFF086;
	s6 =	sadd.s32 @!p0 s3, s7;
	s7 =	simm.s32 @!p0 $0x108  }
0x21: {  	s3 =	sadd.s32 s3, s9;
	s6 =	sadd.s32 @!p0 $0x88, s6;
	s7 =	simm.s32 @p2 $0x1082  }
0x22: {  	[simem:s7], [sflag:s8] =	dma.local @!p0 [hbm:s6], $0xF7A  }
0x23: {  	s9 =	sor.u32 $0xD0000000, s2;
	s6 =	simm.s32 $0x108;
	_ =	swait.ge @!p0 [sflag:s8], $0x0  }
0x24: {  	s3 =	sadd.s32 $0x88, s3;
	s6 =	simm.s32 @!p1 $0x1082;
	[sflag:s4] =	ssyncset.s32 $0xFFFFF086  }
0x25: {  	[simem:s6], [sflag:s4] =	dma.local [hbm:s3], $0xF7A  }
0x26: {  	[smem:$0x3F99] =	sst s1;
	(tag) =	ssettag s2;
	_ =	strace s9  }
0x27: {  	s1 =	sld [smem:$0x3FA9]  }
0x28: {  	s2 =	sld [smem:$0x3FAA]  }
0x29: {  	s4 =	sld [smem:$0x3FAC]  }
0x2a: {  	p0 =	seq.s32 s5, $0x0;
	s5 =	sld [smem:$0x3FAD]  }
0x2b: {  	s6 =	sld [smem:$0x3FAE]  }
0x2c: {  	s7 =	sld [smem:$0x3FAF]  }
0x2d: {  	s3 =	simm.s32 $0x108;
	s8 =	sld [smem:$0x3FB0]  }
0x2e: {  	s3 =	simm.s32 @!p0 $0x1082;
	s9 =	sld [smem:$0x3FB1]  }
0x2f: {  	lr =	sadd.s32 s0, s3;
	s0 =	sld [smem:$0x3FA8]  }
0x30: {  	s3 =	sld [smem:$0x3FAB]  }
0x31: {  	[smem:$0x3FB4] =	sst s10  }
0x32: {  	s10 =	sld [smem:$0x3FB2];
	_ =	sdelay $0x3  }
0x33: {  	p0 =	seq.s32 s10, $0x1;
	s10 =	sld [smem:$0x3FB4];
	_ =	sdelay $0x3  }
0x34: {  	[smem:$0x3FB4] =	sst s10  }
0x35: {  	s10 =	sld [smem:$0x3FB3];
	_ =	sdelay $0x3  }
0x36: {  	p1 =	seq.s32 s10, $0x1;
	s10 =	sld [smem:$0x3FB4];
	_ =	sdelay $0x3  }
0x37: {  	[smem:$0x3FB4] =	sst s10  }
0x38: {  	s10 =	sld [smem:$0x3FB5]  }
0x39: {  	_ = 	snop;
	(pc) =	sbr.ind lr, $3  }
0x3a: {  	_ = 	snop  }
0x3b: {  	_ = 	snop  }
0x3c: {  	p2 =	seq.s32 s10, $0x1;
	s10 =	sld [smem:$0x3FB4]  }
0x3d: {  	_ =	shalt  }
0x3e: {  	_ =	shalt  }
0x3f: {  	_ =	shalt  }
0x40: {  	_ =	shalt  }
0x41: {  	_ =	shalt  }
0x42: {  	_ =	shalt  }
0x43: {  	_ =	shalt  }
0x44: {  	_ =	shalt  }
0x45: {  	_ =	shalt  }
0x46: {  	_ =	shalt  }
0x47: {  	_ =	shalt  }
0x48: {  	_ =	shalt  }
0x49: {  	_ =	shalt  }
0x4a: {  	_ =	shalt  }
0x4b: {  	_ =	shalt  }
0x4c: {  	_ =	shalt  }
0x4d: {  	_ =	shalt  }
0x4e: {  	_ =	shalt  }
0x4f: {  	_ =	shalt  }
0x50: {  	_ =	shalt  }
0x51: {  	_ =	shalt  }
0x52: {  	_ =	shalt  }
0x53: {  	_ =	shalt  }
0x54: {  	_ =	shalt  }
0x55: {  	_ =	shalt  }
0x56: {  	_ =	shalt  }
0x57: {  	_ =	shalt  }
0x58: {  	_ =	shalt  }
0x59: {  	_ =	shalt  }
0x5a: {  	_ =	shalt  }
0x5b: {  	_ =	shalt  }
0x5c: {  	_ =	shalt  }
0x5d: {  	_ =	shalt  }
0x5e: {  	_ =	shalt  }
0x5f: {  	_ =	shalt  }
0x60: {  	_ =	shalt  }
0x61: {  	_ =	shalt  }
0x62: {  	_ =	shalt  }
0x63: {  	_ =	shalt  }
0x64: {  	_ =	shalt  }
0x65: {  	_ =	shalt  }
0x66: {  	_ =	shalt  }
0x67: {  	_ =	shalt  }
0x68: {  	_ =	shalt  }
0x69: {  	_ =	shalt  }
0x6a: {  	_ =	shalt  }
0x6b: {  	_ =	shalt  }
0x6c: {  	_ =	shalt  }
0x6d: {  	_ =	shalt  }
0x6e: {  	_ =	shalt  }
0x6f: {  	_ =	shalt  }
0x70: {  	_ =	shalt  }
0x71: {  	_ =	shalt  }
0x72: {  	_ =	shalt  }
0x73: {  	_ =	shalt  }
0x74: {  	_ =	shalt  }
0x75: {  	_ =	shalt  }
0x76: {  	_ =	shalt  }
0x77: {  	_ =	shalt  }
0x78: {  	_ =	shalt  }
0x79: {  	_ =	shalt  }
0x7a: {  	_ =	shalt  }
0x7b: {  	_ =	shalt  }
0x7c: {  	_ =	shalt  }
0x7d: {  	_ =	shalt  }
0x7e: {  	_ =	shalt  }
0x7f: {  	_ =	shalt  }
0x80: {  	_ =	shalt  }
0x81: {  	_ =	shalt  }
0x82: {  	_ =	shalt  }
0x83: {  	_ =	shalt  }
0x84: {  	_ =	shalt  }
0x85: {  	_ =	shalt  }
0x86: {  	_ =	shalt  }
0x87: {  	_ =	shalt  }
.Lfunc_end0:
.L_simem_size_0:
called_computation.1_lowered:
.L_overlay_start_0:
0x88: {  	s2 =	sld [smem:$0x3FD9]  }
0x89: {  	s3 =	sld [smem:$0x3FFE];
	_ =	sdelay $0x1  }
0x8a: {  	s1 =	srdreg.scid  }
0x8b: {  	s0 =	sand.u32 $0x1, s1  }
0x8c: {  	s17 =	sshll.u32 s0, $0xA;
	s2 =	sadd.s32 s3, s2  }
0x8d: {  	s2 =	sadd.s32 s2, s17  }
0x8e: {  	[smem:$0x3FC0] =	sst s2  }
0x8f: {  	_ = 	snop  }
0x90: {  	s2 =	sld [smem:$0x3FD0];
	(tm) =	ssettm $0x1  }
0x91: {  	s18 =	sld [smem:$0x3FFB];
	_ =	sdelay $0x3  }
0x92: {  	_ =	strace s18  }
0x93: {  	s3 =	sld [smem:$0x3FFC];
	_ =	sdelay $0x3  }
0x94: {  	_ =	strace s3  }
0x95: {  	s3 =	sld [smem:$0x3FFD];
	_ =	sdelay $0x3  }
0x96: {  	_ =	strace s3  }
0x97: {  	_ =	strace $0x8FFFFFFF  }
0x98: {  	s19 =	sld [smem:$0x3FDB];
	_ =	sdelay $0x1  }
0x99: {  	s4 =	simm.s32 $_scs_section_size  }
0x9a: {  	s5 =	simm.s32 $_size__tile_overlayer_lowered;
	s6 =	simm.s32 $_tile_overlayer_lowered  }
0x9b: {  	s22 =	simm.s32 $0x1BFF;
	s21 =	sshll.u32 s6, $0x1;
	s3 =	sadd.s32 s4, s19  }
0x9c: {  	s7 =	simm.s32 $0x0;
	s20 =	sshll.u32 s5, $0x1;
	s5 =	sadd.s32 s21, s3  }
0x9d: {  	[timem:s7], [sflag:s22] =	dma.local [hbm:s5], s20  }
0x9e: {  	_ =	swait.ge [sflag:s22], s20  }
0x9f: {  	s4 =	ssub.s32 $0x0, s20;
	[sflag:s22] =	ssyncset.done $0x0  }
0xa0: {  	[sflag:s22] =	ssyncadd.s32 s4;
	_ =	sdelay $0x1  }
0xa1: {  	s23 =	simm.s32 $0x1B8B  }
0xa2: {  	_ =	swait.ge [sflag:s23], $0x1  }
0xa3: {  	[sflag:s23] =	ssyncset.done $0x0  }
0xa4: {  	s25 =	simm.s32 $0x1B8E;
	s24 =	sld [smem:$0x3FFE];
	[sflag:s23] =	ssyncadd.s32 $0xFFFFFFFF  }
0xa5: {  	s26 =	simm.s32 $execute0_lowered;
	[smem:$0x3FD2] =	sst s25  }
0xa6: {  	s5 =	sshll.u32 s26, $0x1;
	_ =	strace $0x80000049;
	[dreg:$0x1] =	wrdreg $0xFFFFFFFF  }
0xa7: {  	s28 =	simm.s32 $_size_execute0_lowered;
	s3 =	sadd.s32 s3, s5;
	[dreg:$0x0] =	wrdreg $0x0  }
0xa8: {  	s5 =	sshll.u32 s28, $0x1;
	[dreg:$0x2] =	wrdreg s3  }
0xa9: {  	[dreg:$0x3] =	wrdreg s5  }
0xaa: {  	[dreg:$0x4] =	wrdreg $0xC0  }
0xab: {  	_ =	task [dreg:s7], $0x5FFFF  }
0xac: {  	[dreg:$0x1] =	wrdreg $0xFFFFFFFF  }
0xad: {  	[dreg:$0x0] =	wrdreg $0x60  }
0xae: {  	[dreg:$0x2] =	wrdreg s2  }
0xaf: {  	[dreg:$0x3] =	wrdreg s24  }
0xb0: {  	[dreg:$0x4] =	wrdreg $0x150000  }
0xb1: {  	[dreg:$0x5] =	wrdreg $0x9  }
0xb2: {  	_ =	task.clear_ibuf [dreg:s7], $0x6FFFF;
	_ =	strace $0x90000049  }
0xb3: {  	s29 =	simm.s32 $0x9;
	_ =	strace $0x8000004B  }
0xb4: {  	_ =	swait.ge [sflag:s29], $0x1  }
0xb5: {  	[sflag:s29] =	ssyncadd.s32 $0xFFFFFFFF  }
0xb6: {  	_ =	strace $0x9000004B  }
0xb7: {  	_ =	sfence  }
0xb8: {  	s30 =	sld [smem:$0x0];
	_ =	sdelay $0x2  }
0xb9: {  	s31 =	sshll.u32 s1, $0xD;
	s1 =	sshrl.u32 s1, $0x2  }
0xba: {  	s3 =	sand.u32 $0x4000, s31;
	s1 =	sadd.s32 s1, s30  }
0xbb: {  	s0 =	sor.u32 s3, s0;
	s1 =	sshll.u32 s1, $0x11  }
0xbc: {  	s0 =	sor.u32 s1, s0  }
0xbd: {  	s0 =	sadd.s32 $0x8F2B, s0  }
0xbe: {  	[sflag:s0] =	ssyncadd.remote.s32 $0x1  }
0xbf: {  	_ =	sfence.sel $0xFFFF  }
0xc0: {  	[dreg:$0x0] =	wrdreg $0xFFFFFFFF;
	(pc) =	sbr.abs _section_cstart, $3  }
0xc1: {  	[dreg:$0x1] =	wrdreg $0xFFFFFFFF  }
0xc2: {  	_ =	task.clear_ibuf [dreg:s7], $0x2FFFF;
	_ =	strace $0x9FFFFFFF  }
0xc3: {  	(tm) =	ssettm $0x7FFFFFFF  }
tec
execute0_lowered:
.L_overlay_start_1:
0x0: {  	(tag) =	ssettag $0x1  }
0x1: {  	s0 =	rddreg [dreg:$0x0]  }
0x2: {  	s5 =	rddreg [dreg:$0x1];
	s1 =	srdreg.scid  }
0x3: {  	s3 =	rddreg [dreg:$0x2];
	s2 =	stileid.u32  }
0x4: {  	s4 =	simm.s32 $0x0;
	s13 =	simm.s32 $0x3;
	s14 =	simm.s32 $0x8000  }
0x5: {  	s15 =	simm.s32 $0x10000;
	s16 =	simm.s32 $0x50;
	s17 =	simm.s32 $0x12800  }
0x6: {  	s18 =	simm.s32 $0x1;
	s19 =	simm.s32 $0x2;
	s21 =	simm.s32 $0xFC00  }
0x7: {  	s22 =	simm.s32 $0xFC80;
	s24 =	simm.s32 $0x0;
	s8 =	smul.u32 $0x1F400, s2  }
0x8: {  	s7 =	sand.u32 $0x1, s1;
	s1 =	rddreg [dreg:$0x3];
	s11 =	smul.u32 $0x28000, s2  }
0x9: {  	[smem:$0x7FF] =	sst s4;
	s9 =	sshll.u32 s2, $0xC;
	s12 =	smul.u32 $0x7D000, s2  }
0xa: {  	p0 =	sgt.u32 s2, $0x4;
	s6 =	smul.u32 $0x9C400, s7;
	_ =	strace $0x8000004A  }
0xb: {  	s26 =	sadd.s32 s9, s5;
	s28 =	ssub.s32 $0x2, s7;
	s20 =	smul.u32 $0x1388, s7  }
0xc: {  	s29 =	sshrl.u32 s28, $0x1;
	s30 =	sshrl.u32 s11, $0x2;
	s31 =	sshrl.u32 s12, $0x2  }
0xd: {  	s6 =	sadd.s32 s8, s6;
	s9 =	ssub.s32 s28, s29;
	s8 =	sadd.s32 s30, s3  }
0xe: {  	s23 =	sadd.s32 s31, s3;
	v0 =	vmov s20;
	s20 =	simm.s32 $0x7C80;
	s6 =	sshrl.u32 s6, $0x3  }
0xf: {  	s9 =	smax.u32 s9, $0x1;
	s11 =	sadd.s32 $0x5000, s8;
	s12 =	sadd.s32 $0x7800, s8  }
0x10: {  	s23 =	sshrl.u32 @!p0 s23, $0x3;
	s10 =	sadd.s32 s6, s5;
	s5 =	sadd.s32 $0x17600, s26  }
0x11: {  	v2 =	vimm.f32 $0.0e+00;
	v1 =	vadd.s32 $0x1388, v0;
	s6 =	sadd.s32 $0x7600, s26;
	s7 =	sadd.s32 $0x27600, s10;
	s10 =	sadd.s32 $0x2800, s8  }
.LBB2_1:
0x12: {  	[tilespmem:s4], [sflag:$0x3] =	stream.linear.gather [hbm4b:s5+s4], $0x7D00, $0x38;
	[tilespmem:$0x1F000] =	vst v63  }
0x13: {  	_ =	swait.ge [sflag:s13], $0x7D00  }
0x14: {  	[sflag:s13] =	ssyncset.done $0x0  }
0x15: {  	[sflag:s13] =	ssyncadd.s32 $0xFFFF8300  }
0x16: {  	[tilespmem:s14], [sflag:$0x3] =	stream.linear.gather [hbm4b:s6+s4], $0x7D00, $0x38;
	[tilespmem:$0x1F000] =	vst v63  }
0x17: {  	_ =	swait.ge [sflag:s13], $0x7D00  }
0x18: {  	[sflag:s13] =	ssyncset.done $0x0  }
0x19: {  	s25 =	simm.s32 $0x70;
	s26 =	simm.s32 $0x3C0;
	[sflag:s13] =	ssyncadd.s32 $0xFFFF8300  }
.LBB2_2:
0x1a: {  	p1 =	sne.s32 s26, $0x9FC0;
	[tilespmem:s25+$0x10000] =	vst v2  }
0x1b: {  	[tilespmem:s25+$0xFF90] =	vst v2  }
0x1c: {  	[tilespmem:s25+$0xFFA0] =	vst v2  }
.Ltmp0:
0x1d: {  	[tilespmem:s25+$0xFFB0] =	vst v2;
	(pc) =	sbr.rel @p1 .LBB2_2-.Ltmp0, $4  }
0x1e: {  	[tilespmem:s25+$0xFFC0] =	vst v2  }
0x1f: {  	[tilespmem:s25+$0xFFD0] =	vst v2  }
0x20: {  	[tilespmem:s25+$0xFFE0] =	vst v2  }
0x21: {  	[tilespmem:s25+$0xFFF0] =	vst v2;
	s25 =	sshra.s32 s26, $0x2;
	s26 =	sadd.s32 $0x200, s26  }
0x22: {  	[tilespmem:s25+$0x10000] =	vst v2  }
0x23: {  	[tilespmem:s25+$0xFF90] =	vst v2  }
0x24: {  	[tilespmem:s25+$0xFFA0] =	vst v2  }
0x25: {  	[tilespmem:s25+$0xFFB0] =	vst v2  }
0x26: {  	[tilespmem:s25+$0xFFC0] =	vst v2  }
0x27: {  	[tilespmem:s25+$0xFFD0] =	vst v2  }
0x28: {  	[tilespmem:s25+$0xFFE0] =	vst v2  }
0x29: {  	[tilespmem:s25+$0xFFF0] =	vst v2  }
0x2a: {  	[spmem:s8] =	stream.linear.scatter [tilespmem:s15], [sflag:$0x3], $0x2800, $0x38;
	[tilespmem:$0x1F000] =	vst v63  }
0x2b: {  	_ =	swait.ge [sflag:s13], $0x2800  }
0x2c: {  	[sflag:s13] =	ssyncset.done $0x0  }
0x2d: {  	[sflag:s13] =	ssyncadd.s32 $0xFFFFD800  }
0x2e: {  	[spmem:s10] =	stream.linear.scatter [tilespmem:s15], [sflag:$0x3], $0x2800, $0x38;
	[tilespmem:$0x1F000] =	vst v63  }
0x2f: {  	_ =	swait.ge [sflag:s13], $0x2800  }
0x30: {  	[sflag:s13] =	ssyncset.done $0x0  }
0x31: {  	[sflag:s13] =	ssyncadd.s32 $0xFFFFD800  }
0x32: {  	[spmem:s11] =	stream.linear.scatter [tilespmem:s15], [sflag:$0x3], $0x2800, $0x38;
	[tilespmem:$0x1F000] =	vst v63  }
0x33: {  	_ =	swait.ge [sflag:s13], $0x2800  }
0x34: {  	[sflag:s13] =	ssyncset.done $0x0  }
0x35: {  	[sflag:s13] =	ssyncadd.s32 $0xFFFFD800  }
0x36: {  	[spmem:s12] =	stream.linear.scatter [tilespmem:s15], [sflag:$0x3], $0x2800, $0x38;
	[tilespmem:$0x1F000] =	vst v63  }
0x37: {  	_ =	swait.ge [sflag:s13], $0x2800  }
0x38: {  	[sflag:s13] =	ssyncset.done $0x0  }
0x39: {  	s26 =	simm.s32 $0x40;
	[sflag:s13] =	ssyncadd.s32 $0xFFFFD800  }
0x3a: {  	v3 =	vld [tilespmem:s26+$0x7FF0];
	_ =	sdelay $0x1  }
0x3b: {  	v4 =	vld [tilespmem:s26+$0x7FD0]  }
0x3c: {  	v6 =	vld [tilespmem:s26+$0x7FC0];
	_ =	sdelay $0x1  }
0x3d: {  	vm0 =	vge.s32 v3, v0;
	vm1 =	vlt.s32 v3, v1;
	v5 =	vand.u32 $0x3F, v3  }
0x3e: {  	v3 =	vsub.s32 v3, v0;
	vm0 =	vmand vm0, vm1;
	v5 =	vadd.s32 $0x1388, v5  }
0x3f: {  	v7 =	vand.u32 $0x3F, v4;
	v3 =	vsel vm0, v3, v5  }
0x40: {  	s25 =	simm.s32 $0xC0;
	vm2 =	vlt.s32 v6, v1;
	vm1 =	vge.s32 v4, v0;
	vm0 =	vlt.s32 v4, v1;
	[tilespmem:s26+$0x7FF0] =	vst v3;
	v3 =	vld [tilespmem:s26+$0x7FE0]  }
0x41: {  	v5 =	vsub.s32 v4, v0;
	v4 =	vadd.s32 $0x1388, v7;
	v7 =	vand.u32 $0x3F, v6;
	v8 =	vld [tilespmem:s25+$0x7FF0]  }
0x42: {  	vm0 =	vmand vm1, vm0;
	vm1 =	vge.s32 v6, v0;
	v6 =	vsub.s32 v6, v0  }
0x43: {  	v7 =	vadd.s32 $0x1388, v7;
	v4 =	vsel vm0, v5, v4;
	vm0 =	vmand vm1, vm2  }
0x44: {  	[tilespmem:s26+$0x7FD0] =	vst v4;
	v4 =	vsel vm0, v6, v7  }
0x45: {  	v5 =	vld [tilespmem:s25+$0x7FD0];
	[tilespmem:s26+$0x7FC0] =	vst v4;
	vm0 =	vge.s32 v3, v0;
	vm1 =	vlt.s32 v3, v1  }
0x46: {  	v6 =	vld [tilespmem:s25+$0x7FC0];
	v4 =	vand.u32 $0x3F, v3;
	vm2 =	vge.s32 v8, v0;
	vm0 =	vmand vm0, vm1  }
0x47: {  	vm1 =	vlt.s32 v8, v1;
	v9 =	vand.u32 $0x3F, v8;
	v7 =	vadd.s32 $0x1388, v4;
	v4 =	vld [tilespmem:s26+$0x8000]  }
0x48: {  	s28 =	simm.s32 $0x500;
	v8 =	vsub.s32 v8, v0;
	vm1 =	vmand vm2, vm1;
	v9 =	vadd.s32 $0x1388, v9  }
.LBB2_4:
0x49: {  	s29 =	sshra.s32 s28, $0x2;
	p1 =	sne.s32 s28, $0x1F300;
	s28 =	sadd.s32 $0x200, s28;
	v8 =	vsel vm1, v8, v9;
	v3 =	vsub.s32 v3, v0  }
0x4a: {  	vm1 =	vlt.s32 v5, v1;
	v9 =	vsub.s32 v5, v0;
	[tilespmem:s25+$0x7FF0] =	vst v8;
	v3 =	vsel vm0, v3, v7  }
0x4b: {  	v8 =	vand.u32 $0x3F, v5;
	vm0 =	vlt.s32 v6, v1;
	v7 =	vsub.s32 v6, v0;
	[tilespmem:s26+$0x7FE0] =	vst v3  }
0x4c: {  	vm2 =	vge.s32 v5, v0;
	v5 =	vadd.s32 $0x1388, v8;
	v3 =	vld [tilespmem:s25+$0x7FE0];
	vm3 =	vge.s32 v4, v0  }
0x4d: {  	vm1 =	vmand vm2, vm1;
	v10 =	vand.u32 $0x3F, v6;
	v11 =	vand.u32 $0x3F, v4;
	v8 =	vld [tilespmem:s29+$0x7FF0]  }
0x4e: {  	vm2 =	vge.s32 v6, v0;
	v5 =	vsel vm1, v9, v5;
	vm1 =	vlt.s32 v4, v1  }
0x4f: {  	vm0 =	vmand vm2, vm0;
	v6 =	vadd.s32 $0x1388, v10;
	v9 =	vadd.s32 $0x1388, v11;
	[tilespmem:s25+$0x7FD0] =	vst v5  }
.Ltmp1:
0x50: {  	v4 =	vsub.s32 v4, v0;
	v6 =	vsel vm0, v7, v6;
	vm0 =	vmand vm3, vm1;
	v5 =	vld [tilespmem:s29+$0x7FD0];
	(pc) =	sbr.rel @p1 .LBB2_4-.Ltmp1, $4  }
0x51: {  	v4 =	vsel vm0, v4, v9;
	[tilespmem:s25+$0x7FC0] =	vst v6;
	vm1 =	vge.s32 v3, v0;
	vm2 =	vlt.s32 v3, v1  }
0x52: {  	v7 =	vand.u32 $0x3F, v3;
	v6 =	vld [tilespmem:s29+$0x7FC0];
	vm3 =	vge.s32 v8, v0;
	vm0 =	vmand vm1, vm2;
	[tilespmem:s26+$0x8000] =	vst v4;
	s26 =	smov.u32 s25;
	s25 =	smov.u32 s29  }
0x53: {  	vm1 =	vlt.s32 v8, v1;
	v9 =	vand.u32 $0x3F, v8;
	v7 =	vadd.s32 $0x1388, v7;
	v4 =	vld [tilespmem:s26+$0x8000]  }
0x54: {  	v8 =	vsub.s32 v8, v0;
	vm1 =	vmand vm3, vm1;
	v9 =	vadd.s32 $0x1388, v9  }
0x55: {  	v8 =	vsel vm1, v8, v9;
	v3 =	vsub.s32 v3, v0  }
0x56: {  	vm7 =	vlt.s32 v5, v1;
	v53 =	vsub.s32 v5, v0;
	v10 =	vand.u32 $0x3F, v5  }
0x57: {  	vm2 =	vge.s32 v5, v0;
	v3 =	vsel vm0, v3, v7;
	v55 =	vadd.s32 $0x1388, v10  }
0x58: {  	[tilespmem:s25+$0x7FF0] =	vst v8;
	vm1 =	vmand vm2, vm7;
	vm8 =	vlt.s32 v6, v1;
	v54 =	vsub.s32 v6, v0  }
0x59: {  	v56 =	vand.u32 $0x3F, v6;
	[tilespmem:s26+$0x7FE0] =	vst v3;
	vm9 =	vge.s32 v6, v0;
	v3 =	vsel vm1, v53, v55  }
0x5a: {  	vm3 =	vge.s32 v4, v0;
	v57 =	vand.u32 $0x3F, v4;
	vm10 =	vlt.s32 v4, v1  }
0x5b: {  	vm0 =	vmand vm9, vm8;
	v59 =	vadd.s32 $0x1388, v56;
	v61 =	vsub.s32 v4, v0  }
0x5c: {  	v58 =	vld [tilespmem:s25+$0x7FE0];
	[tilespmem:s25+$0x7FD0] =	vst v3;
	v60 =	vadd.s32 $0x1388, v57;
	v3 =	vsel vm0, v54, v59;
	vm11 =	vmand vm3, vm10  }
0x5d: {  	[tilespmem:s25+$0x7FC0] =	vst v3;
	v3 =	vsel vm11, v61, v60  }
0x5e: {  	[tilespmem:s26+$0x8000] =	vst v3  }
0x5f: {  	v3 =	vld [tilespmem:s25+$0x8000];
	_ =	sdelay $0x1  }
0x60: {  	vm12 =	vge.s32 v58, v0;
	vm13 =	vlt.s32 v58, v1;
	v62 =	vand.u32 $0x3F, v58  }
0x61: {  	v5 =	vsub.s32 v58, v0;
	vm0 =	vmand vm12, vm13;
	v4 =	vadd.s32 $0x1388, v62  }
0x62: {  	v4 =	vsel vm0, v5, v4  }
0x63: {  	vm14 =	vge.s32 v3, v0;
	v63 =	vand.u32 $0x3F, v3;
	vm15 =	vlt.s32 v3, v1  }
0x64: {  	v3 =	vsub.s32 v3, v0;
	v5 =	vadd.s32 $0x1388, v63;
	vm0 =	vmand vm14, vm15  }
0x65: {  	[tilespmem:s25+$0x7FE0] =	vst v4;
	v3 =	vsel vm0, v3, v5  }
0x66: {  	s26 =	simm.s32 $0x0;
	[tilespmem:s25+$0x8000] =	vst v3  }
0x67: {  	[tilespmem:s15], [sflag:$0x1] =	stream.indirect.gather [hbm4b:s0+s16], $0x80, s26, s16, $0xb8;
	[tilespmem:$0x1F000] =	vst v63  }
0x68: {  	s28 =	simm.s32 $0x80;
	[bflag:$0x0] =	sbarrier.arrive $0xFFFF  }
0x69: {  	[tilespmem:s17], [sflag:$0x2] =	stream.indirect.gather [hbm4b:s0+s16], $0x80, s28, s16, $0xb8;
	[tilespmem:$0x1F000] =	vst v63  }
0x6a: {  	_ =	swait.ge [sflag:s18], $0x2800  }
0x6b: {  	[sflag:s18] =	ssyncset.done $0x0  }
0x6c: {  	s29 =	simm.s32 $0x8000;
	[sflag:s18] =	ssyncadd.s32 $0xFFFFD800  }
0x6d: {  	[spmem:s3] =	stream.indirect.scatter.add.f32 [tilespmem:s15], [sflag:$0x3], $0x80, s29, s16, $0xb8;
	[tilespmem:$0x1F000] =	vst v63  }
0x6e: {  	_ =	swait.ge [sflag:s13], $0x2800  }
0x6f: {  	[sflag:s13] =	ssyncset.done $0x0  }
0x70: {  	s30 =	simm.s32 $0x100;
	[sflag:s13] =	ssyncadd.s32 $0xFFFFD800  }
0x71: {  	[tilespmem:s15], [sflag:$0x1] =	stream.indirect.gather [hbm4b:s0+s16], $0x80, s30, s16, $0xb8;
	[tilespmem:$0x1F000] =	vst v63  }
0x72: {  	_ =	swait.ge [sflag:s19], $0x2800  }
0x73: {  	[sflag:s19] =	ssyncset.done $0x0  }
0x74: {  	s31 =	simm.s32 $0x8080;
	[sflag:s19] =	ssyncadd.s32 $0xFFFFD800  }
0x75: {  	[spmem:s3] =	stream.indirect.scatter.add.f32 [tilespmem:s17], [sflag:$0x3], $0x80, s31, s16, $0xb8;
	[tilespmem:$0x1F000] =	vst v63  }
0x76: {  	_ =	swait.ge [sflag:s13], $0x2800  }
0x77: {  	s25 =	simm.s32 $0x100;
	s26 =	simm.s32 $0x800;
	[sflag:s13] =	ssyncset.done $0x0  }
.LBB2_6:
0x78: {  	s28 =	sadd.s32 $0x80, s25  }
0x79: {  	[sflag:s13] =	ssyncadd.s32 $0xFFFFD800;
	s29 =	smov.u32 s26;
	s30 =	sadd.s32 $0x400, s26  }
0x7a: {  	[tilespmem:s17], [sflag:$0x2] =	stream.indirect.gather [hbm4b:s0+s16], $0x80, s28, s16, $0xb8;
	[tilespmem:$0x1F000] =	vst v63  }
0x7b: {  	p1 =	sne.s32 s26, $0x1EC00;
	_ =	swait.ge [sflag:s18], $0x2800  }
0x7c: {  	[sflag:s18] =	ssyncset.done $0x0  }
0x7d: {  	s26 =	sadd.s32 $0x8000, s25;
	[sflag:s18] =	ssyncadd.s32 $0xFFFFD800  }
0x7e: {  	[spmem:s3] =	stream.indirect.scatter.add.f32 [tilespmem:s15], [sflag:$0x3], $0x80, s26, s16, $0xb8;
	[tilespmem:$0x1F000] =	vst v63  }
0x7f: {  	_ =	swait.ge [sflag:s13], $0x2800  }
0x80: {  	[sflag:s13] =	ssyncset.done $0x0  }
0x81: {  	s26 =	sadd.s32 $0x100, s25;
	[sflag:s13] =	ssyncadd.s32 $0xFFFFD800  }
0x82: {  	[tilespmem:s15], [sflag:$0x1] =	stream.indirect.gather [hbm4b:s0+s16], $0x80, s26, s16, $0xb8;
	[tilespmem:$0x1F000] =	vst v63  }
0x83: {  	_ =	swait.ge [sflag:s19], $0x2800  }
.Ltmp2:
0x84: {  	[sflag:s19] =	ssyncset.done $0x0;
	(pc) =	sbr.rel @p1 .LBB2_6-.Ltmp2, $4  }
0x85: {  	s25 =	sadd.s32 $0x8080, s25;
	[sflag:s19] =	ssyncadd.s32 $0xFFFFD800  }
0x86: {  	[spmem:s3] =	stream.indirect.scatter.add.f32 [tilespmem:s17], [sflag:$0x3], $0x80, s25, s16, $0xb8;
	[tilespmem:$0x1F000] =	vst v63  }
0x87: {  	_ =	swait.ge [sflag:s13], $0x2800  }
0x88: {  	s26 =	smov.u32 s30;
	s25 =	sshra.s32 s29, $0x2;
	[sflag:s13] =	ssyncset.done $0x0  }
0x89: {  	s26 =	sadd.s32 $0x80, s25;
	[sflag:s13] =	ssyncadd.s32 $0xFFFFD800  }
0x8a: {  	[tilespmem:s17], [sflag:$0x2] =	stream.indirect.gather [hbm4b:s0+s16], $0x80, s26, s16, $0xb8;
	[tilespmem:$0x1F000] =	vst v63  }
0x8b: {  	_ =	swait.ge [sflag:s18], $0x2800  }
0x8c: {  	[sflag:s18] =	ssyncset.done $0x0  }
0x8d: {  	s29 =	sadd.s32 $0x8000, s25;
	[sflag:s18] =	ssyncadd.s32 $0xFFFFD800  }
0x8e: {  	[spmem:s3] =	stream.indirect.scatter.add.f32 [tilespmem:s15], [sflag:$0x3], $0x80, s29, s16, $0xb8;
	[tilespmem:$0x1F000] =	vst v63  }
0x8f: {  	_ =	swait.ge [sflag:s13], $0x2800  }
0x90: {  	[sflag:s13] =	ssyncset.done $0x0  }
0x91: {  	s30 =	sadd.s32 $0x100, s25;
	[sflag:s13] =	ssyncadd.s32 $0xFFFFD800  }
0x92: {  	[tilespmem:s15], [sflag:$0x1] =	stream.indirect.gather [hbm4b:s0+s16], $0x80, s30, s16, $0xb8;
	[tilespmem:$0x1F000] =	vst v63  }
0x93: {  	_ =	swait.ge [sflag:s19], $0x2800  }
0x94: {  	[sflag:s19] =	ssyncset.done $0x0  }
0x95: {  	s31 =	sadd.s32 $0x8080, s25;
	[sflag:s19] =	ssyncadd.s32 $0xFFFFD800  }
0x96: {  	[spmem:s3] =	stream.indirect.scatter.add.f32 [tilespmem:s17], [sflag:$0x3], $0x80, s31, s16, $0xb8;
	[tilespmem:$0x1F000] =	vst v63  }
0x97: {  	_ =	swait.ge [sflag:s13], $0x2800  }
0x98: {  	[sflag:s13] =	ssyncset.done $0x0  }
0x99: {  	[sflag:s13] =	ssyncadd.s32 $0xFFFFD800  }
0x9a: {  	[tilespmem:s17], [sflag:$0x2] =	stream.indirect.gather [hbm4b:s0+s16], $0x80, s20, s16, $0xb8;
	[tilespmem:$0x1F000] =	vst v63  }
0x9b: {  	_ =	swait.ge [sflag:s18], $0x2800  }
0x9c: {  	[sflag:s18] =	ssyncset.done $0x0  }
0x9d: {  	[sflag:s18] =	ssyncadd.s32 $0xFFFFD800  }
0x9e: {  	[spmem:s3] =	stream.indirect.scatter.add.f32 [tilespmem:s15], [sflag:$0x3], $0x80, s21, s16, $0xb8;
	[tilespmem:$0x1F000] =	vst v63  }
0x9f: {  	_ =	swait.ge [sflag:s13], $0x2800  }
0xa0: {  	[sflag:s13] =	ssyncset.done $0x0  }
0xa1: {  	[sflag:s13] =	ssyncadd.s32 $0xFFFFD800  }
0xa2: {  	_ =	swait.ge [sflag:s19], $0x2800  }
0xa3: {  	[sflag:s19] =	ssyncset.done $0x0  }
0xa4: {  	[sflag:s19] =	ssyncadd.s32 $0xFFFFD800  }
0xa5: {  	[spmem:s3] =	stream.indirect.scatter.add.f32 [tilespmem:s17], [sflag:$0x3], $0x80, s22, s16, $0xb8;
	[tilespmem:$0x1F000] =	vst v63  }
0xa6: {  	_ =	swait.ge [sflag:s13], $0x2800  }
0xa7: {  	[sflag:s13] =	ssyncset.done $0x0  }
0xa8: {  	s25 =	sshll.u32 @!p0 s2, $0x6;
	s24 =	sadd.s32 $0x1, s24;
	[sflag:s13] =	ssyncadd.s32 $0xFFFFD800  }
0xa9: {  	s25 =	sor.u32 @!p0 $0x1C03, s25;
	p1 =	sne.s32 s24, s9;
	[bflag:$0x0] =	sbarrier.arrive $0xFFFF  }
0xaa: {  	[hbm:s7], [sflag:s25] =	dma.local @!p0 [spmem:s23], $0x3E80  }
.Ltmp3:
0xab: {  	_ = 	snop;
	(pc) =	sbr.rel @p1 .LBB2_1-.Ltmp3, $4  }
0xac: {  	s25 =	simm.s32 @!p0 $0x3  }
0xad: {  	_ =	swait.ge @!p0 [sflag:s25], $0x3E80  }
0xae: {  	[sflag:s25] =	ssyncset.done @!p0 $0x0  }
0xaf: {  	[sflag:s25] =	ssyncadd.s32 @!p0 $0xFFFFC180  }
0xb0: {  	_ =	sfence.sel $0x180000  }
0xb1: {  	[bflag:$0x0] =	sbarrier.arrive $0xFFFF  }
0xb2: {  	p0 =	sne.s32 s2, $0x0;
	_ =	strace $0x9000004A  }
0xb3: {  	s0 =	sadd.s32 @!p0 $0x100000, s1;
	[bflag:$0x2] =	sbarrier.arrive $0xFFFF  }
0xb4: {  	[sflag:s0] =	ssyncadd.tile.s32 @!p0 $0x1;
	_ =	shalt  }
.Lfunc_end2:
_tile_overlayer_lowered:
.L_overlay_start_2:
0xb5: {  	(tag) =	ssettag $0x2  }
0xb6: {  	s0 =	rddreg [dreg:$0x0];
	s2 =	stileid.u32  }
0xb7: {  	s1 =	rddreg [dreg:$0x1];
	p0 =	sne.s32 s2, $0x0  }
0xb8: {  	s3 =	rddreg [dreg:$0x2];
	[bflag:$0x3] =	sbarrier.arrive $0xFFFF;
	s2 =	simm.s32 @!p0 $0x1C03  }
0xb9: {  	[timem:s3], [sflag:s2] =	dma.local @!p0 [hbm:s0], s1  }
0xba: {  	s0 =	simm.s32 @!p0 $0x3  }
0xbb: {  	_ =	swait.ge @!p0 [sflag:s0], s1  }
0xbc: {  	s1 =	ssub.s32 @!p0 $0x0, s1;
	[sflag:s0] =	ssyncset.done @!p0 $0x0  }
0xbd: {  	[sflag:s0] =	ssyncadd.s32 @!p0 s1  }
0xbe: {  	[bflag:$0x3] =	sbarrier.arrive $0xFFFF  }
0xbf: {  	_ =	shalt  }

// kernel: kernel.15.cloned.1.call-start
scs
__scs_entry_jumppad:
0x0: {  	(pc) =	sbr.rel $0x88, $3  }
0x1: {  	(tag) =	ssettag $0x0;
	lr =	simm.s32 $0x1  }
0x2: {  	[smem:$0x3F99] =	sst lr;
	_ =	strace $0xD0000000  }
0x3: {  	_ = 	snop  }
0x4: {  	_ = 	snop  }
0x5: {  	_ = 	snop  }
0x6: {  	_ = 	snop  }
0x7: {  	_ = 	snop  }
__scs_overlays_trampoline_lowered:
0x8: {  	[smem:$0x3FA8] =	sst s0  }
0x9: {  	[smem:$0x3FA9] =	sst s1  }
0xa: {  	[smem:$0x3FAA] =	sst s2  }
0xb: {  	[smem:$0x3FAB] =	sst s3  }
0xc: {  	[smem:$0x3FAC] =	sst s4  }
0xd: {  	[smem:$0x3FAD] =	sst s5  }
0xe: {  	[smem:$0x3FAE] =	sst s6  }
0xf: {  	[smem:$0x3FAF] =	sst s7  }
0x10: {  	[smem:$0x3FB0] =	sst s8  }
0x11: {  	[smem:$0x3FB1] =	sst s9;
	s0 =	simm.s32 @!p0 $0x0  }
0x12: {  	s1 =	sld [smem:$0x3F97];
	s0 =	simm.s32 @p0 $0x1  }
0x13: {  	[smem:$0x3FB2] =	sst s0;
	s0 =	simm.s32 @!p1 $0x0  }
0x14: {  	s2 =	sld [smem:$0x3F96];
	s0 =	simm.s32 @p1 $0x1  }
0x15: {  	[smem:$0x3FB3] =	sst s0;
	s0 =	simm.s32 @!p2 $0x0  }
0x16: {  	s3 =	sld [smem:$0x3FDB];
	s0 =	simm.s32 @p2 $0x1  }
0x17: {  	s4 =	simm.s32 $0x1BF5;
	[smem:$0x3FB5] =	sst s0  }
0x18: {  	s0 =	sld [smem:$0x3F98];
	_ =	swait.ge [sflag:s4], $0x0  }
0x19: {  	s7 =	sld [smem:$0x3F99]  }
0x1a: {  	s8 =	sadd.s32 $0xFFFFE003, lr  }
0x1b: {  	s9 =	sadd.s32 $0xFFFFFEF7, lr;
	s5 =	simm.s32 $0xFFFFFFFF;
	p2 =	slt.u32 s8, $0xFFFFF086  }
0x1c: {  	p1 =	slt.u32 s9, $0xF7A;
	s5 =	simm.s32 @!p2 $0x0  }
0x1d: {  	s5 =	simm.s32 @p1 $0x1;
	p0 =	seq.s32 s7, s2  }
0x1e: {  	s7 =	smul.u32 @!p0 $0xF7A, s2;
	p2 =	seq.s32 @!p0 s5, $0x0  }
0x1f: {  	s9 =	smul.u32 $0xF7A, s1;
	s8 =	simm.s32 @!p0 $0x1BF5;
	p2 =	por !p2, p0  }
0x20: {  	[sflag:s8] =	ssyncset.s32 @!p0 $0xFFFFF086;
	s6 =	sadd.s32 @!p0 s3, s7;
	s7 =	simm.s32 @!p0 $0x108  }
0x21: {  	s3 =	sadd.s32 s3, s9;
	s6 =	sadd.s32 @!p0 $0x88, s6;
	s7 =	simm.s32 @p2 $0x1082  }
0x22: {  	[simem:s7], [sflag:s8] =	dma.local @!p0 [hbm:s6], $0xF7A  }
0x23: {  	s9 =	sor.u32 $0xD0000000, s2;
	s6 =	simm.s32 $0x108;
	_ =	swait.ge @!p0 [sflag:s8], $0x0  }
0x24: {  	s3 =	sadd.s32 $0x88, s3;
	s6 =	simm.s32 @!p1 $0x1082;
	[sflag:s4] =	ssyncset.s32 $0xFFFFF086  }
0x25: {  	[simem:s6], [sflag:s4] =	dma.local [hbm:s3], $0xF7A  }
0x26: {  	[smem:$0x3F99] =	sst s1;
	(tag) =	ssettag s2;
	_ =	strace s9  }
0x27: {  	s1 =	sld [smem:$0x3FA9]  }
0x28: {  	s2 =	sld [smem:$0x3FAA]  }
0x29: {  	s4 =	sld [smem:$0x3FAC]  }
0x2a: {  	p0 =	seq.s32 s5, $0x0;
	s5 =	sld [smem:$0x3FAD]  }
0x2b: {  	s6 =	sld [smem:$0x3FAE]  }
0x2c: {  	s7 =	sld [smem:$0x3FAF]  }
0x2d: {  	s3 =	simm.s32 $0x108;
	s8 =	sld [smem:$0x3FB0]  }
0x2e: {  	s3 =	simm.s32 @!p0 $0x1082;
	s9 =	sld [smem:$0x3FB1]  }
0x2f: {  	lr =	sadd.s32 s0, s3;
	s0 =	sld [smem:$0x3FA8]  }
0x30: {  	s3 =	sld [smem:$0x3FAB]  }
0x31: {  	[smem:$0x3FB4] =	sst s10  }
0x32: {  	s10 =	sld [smem:$0x3FB2];
	_ =	sdelay $0x3  }
0x33: {  	p0 =	seq.s32 s10, $0x1;
	s10 =	sld [smem:$0x3FB4];
	_ =	sdelay $0x3  }
0x34: {  	[smem:$0x3FB4] =	sst s10  }
0x35: {  	s10 =	sld [smem:$0x3FB3];
	_ =	sdelay $0x3  }
0x36: {  	p1 =	seq.s32 s10, $0x1;
	s10 =	sld [smem:$0x3FB4];
	_ =	sdelay $0x3  }
0x37: {  	[smem:$0x3FB4] =	sst s10  }
0x38: {  	s10 =	sld [smem:$0x3FB5]  }
0x39: {  	_ = 	snop;
	(pc) =	sbr.ind lr, $3  }
0x3a: {  	_ = 	snop  }
0x3b: {  	_ = 	snop  }
0x3c: {  	p2 =	seq.s32 s10, $0x1;
	s10 =	sld [smem:$0x3FB4]  }
0x3d: {  	_ =	shalt  }
0x3e: {  	_ =	shalt  }
0x3f: {  	_ =	shalt  }
0x40: {  	_ =	shalt  }
0x41: {  	_ =	shalt  }
0x42: {  	_ =	shalt  }
0x43: {  	_ =	shalt  }
0x44: {  	_ =	shalt  }
0x45: {  	_ =	shalt  }
0x46: {  	_ =	shalt  }
0x47: {  	_ =	shalt  }
0x48: {  	_ =	shalt  }
0x49: {  	_ =	shalt  }
0x4a: {  	_ =	shalt  }
0x4b: {  	_ =	shalt  }
0x4c: {  	_ =	shalt  }
0x4d: {  	_ =	shalt  }
0x4e: {  	_ =	shalt  }
0x4f: {  	_ =	shalt  }
0x50: {  	_ =	shalt  }
0x51: {  	_ =	shalt  }
0x52: {  	_ =	shalt  }
0x53: {  	_ =	shalt  }
0x54: {  	_ =	shalt  }
0x55: {  	_ =	shalt  }
0x56: {  	_ =	shalt  }
0x57: {  	_ =	shalt  }
0x58: {  	_ =	shalt  }
0x59: {  	_ =	shalt  }
0x5a: {  	_ =	shalt  }
0x5b: {  	_ =	shalt  }
0x5c: {  	_ =	shalt  }
0x5d: {  	_ =	shalt  }
0x5e: {  	_ =	shalt  }
0x5f: {  	_ =	shalt  }
0x60: {  	_ =	shalt  }
0x61: {  	_ =	shalt  }
0x62: {  	_ =	shalt  }
0x63: {  	_ =	shalt  }
0x64: {  	_ =	shalt  }
0x65: {  	_ =	shalt  }
0x66: {  	_ =	shalt  }
0x67: {  	_ =	shalt  }
0x68: {  	_ =	shalt  }
0x69: {  	_ =	shalt  }
0x6a: {  	_ =	shalt  }
0x6b: {  	_ =	shalt  }
0x6c: {  	_ =	shalt  }
0x6d: {  	_ =	shalt  }
0x6e: {  	_ =	shalt  }
0x6f: {  	_ =	shalt  }
0x70: {  	_ =	shalt  }
0x71: {  	_ =	shalt  }
0x72: {  	_ =	shalt  }
0x73: {  	_ =	shalt  }
0x74: {  	_ =	shalt  }
0x75: {  	_ =	shalt  }
0x76: {  	_ =	shalt  }
0x77: {  	_ =	shalt  }
0x78: {  	_ =	shalt  }
0x79: {  	_ =	shalt  }
0x7a: {  	_ =	shalt  }
0x7b: {  	_ =	shalt  }
0x7c: {  	_ =	shalt  }
0x7d: {  	_ =	shalt  }
0x7e: {  	_ =	shalt  }
0x7f: {  	_ =	shalt  }
0x80: {  	_ =	shalt  }
0x81: {  	_ =	shalt  }
0x82: {  	_ =	shalt  }
0x83: {  	_ =	shalt  }
0x84: {  	_ =	shalt  }
0x85: {  	_ =	shalt  }
0x86: {  	_ =	shalt  }
0x87: {  	_ =	shalt  }
.Lfunc_end0:
.L_simem_size_0:
called_computation.2_lowered:
.L_overlay_start_0:
0x88: {  	s2 =	sld [smem:$0x3FD9]  }
0x89: {  	s3 =	sld [smem:$0x3FFE];
	_ =	sdelay $0x1  }
0x8a: {  	s1 =	srdreg.scid  }
0x8b: {  	s0 =	sand.u32 $0x1, s1  }
0x8c: {  	s17 =	sshll.u32 s0, $0xA;
	s2 =	sadd.s32 s3, s2  }
0x8d: {  	s2 =	sadd.s32 s2, s17  }
0x8e: {  	[smem:$0x3FC0] =	sst s2  }
0x8f: {  	_ = 	snop  }
0x90: {  	s2 =	sld [smem:$0x3FD0];
	(tm) =	ssettm $0x1  }
0x91: {  	s18 =	sld [smem:$0x3FFB];
	_ =	sdelay $0x3  }
0x92: {  	_ =	strace s18  }
0x93: {  	s3 =	sld [smem:$0x3FFC];
	_ =	sdelay $0x3  }
0x94: {  	_ =	strace s3  }
0x95: {  	s3 =	sld [smem:$0x3FFD];
	_ =	sdelay $0x3  }
0x96: {  	_ =	strace s3  }
0x97: {  	_ =	strace $0x8FFFFFFF  }
0x98: {  	s19 =	sld [smem:$0x3FDB];
	_ =	sdelay $0x1  }
0x99: {  	s4 =	simm.s32 $_scs_section_size  }
0x9a: {  	s5 =	simm.s32 $_size__tile_overlayer_lowered;
	s6 =	simm.s32 $_tile_overlayer_lowered  }
0x9b: {  	s22 =	simm.s32 $0x1BFF;
	s21 =	sshll.u32 s6, $0x1;
	s3 =	sadd.s32 s4, s19  }
0x9c: {  	s7 =	simm.s32 $0x0;
	s20 =	sshll.u32 s5, $0x1;
	s5 =	sadd.s32 s21, s3  }
0x9d: {  	[timem:s7], [sflag:s22] =	dma.local [hbm:s5], s20  }
0x9e: {  	_ =	swait.ge [sflag:s22], s20  }
0x9f: {  	s4 =	ssub.s32 $0x0, s20;
	[sflag:s22] =	ssyncset.done $0x0  }
0xa0: {  	[sflag:s22] =	ssyncadd.s32 s4;
	_ =	sdelay $0x1  }
0xa1: {  	s23 =	simm.s32 $0x1B8B  }
0xa2: {  	_ =	swait.ge [sflag:s23], $0x1  }
0xa3: {  	[sflag:s23] =	ssyncset.done $0x0  }
0xa4: {  	s25 =	simm.s32 $0x1B8E;
	s24 =	sld [smem:$0x3FFE];
	[sflag:s23] =	ssyncadd.s32 $0xFFFFFFFF  }
0xa5: {  	s26 =	simm.s32 $execute0_lowered;
	[smem:$0x3FD2] =	sst s25  }
0xa6: {  	s5 =	sshll.u32 s26, $0x1;
	_ =	strace $0x8000004C;
	[dreg:$0x1] =	wrdreg $0xFFFFFFFF  }
0xa7: {  	s28 =	simm.s32 $_size_execute0_lowered;
	s3 =	sadd.s32 s3, s5;
	[dreg:$0x0] =	wrdreg $0x0  }
0xa8: {  	s5 =	sshll.u32 s28, $0x1;
	[dreg:$0x2] =	wrdreg s3  }
0xa9: {  	[dreg:$0x3] =	wrdreg s5  }
0xaa: {  	[dreg:$0x4] =	wrdreg $0xC0  }
0xab: {  	_ =	task [dreg:s7], $0x5FFFF  }
0xac: {  	[dreg:$0x1] =	wrdreg $0xFFFFFFFF  }
0xad: {  	[dreg:$0x0] =	wrdreg $0x60  }
0xae: {  	[dreg:$0x2] =	wrdreg s2  }
0xaf: {  	[dreg:$0x3] =	wrdreg s24  }
0xb0: {  	[dreg:$0x4] =	wrdreg $0x150000  }
0xb1: {  	[dreg:$0x5] =	wrdreg $0x9  }
0xb2: {  	_ =	task.clear_ibuf [dreg:s7], $0x6FFFF;
	_ =	strace $0x9000004C  }
0xb3: {  	s29 =	simm.s32 $0x9;
	_ =	strace $0x8000004E  }
0xb4: {  	_ =	swait.ge [sflag:s29], $0x1  }
0xb5: {  	[sflag:s29] =	ssyncadd.s32 $0xFFFFFFFF  }
0xb6: {  	_ =	strace $0x9000004E  }
0xb7: {  	_ =	sfence  }
0xb8: {  	s30 =	sld [smem:$0x0];
	_ =	sdelay $0x2  }
0xb9: {  	s31 =	sshll.u32 s1, $0xD;
	s1 =	sshrl.u32 s1, $0x2  }
0xba: {  	s3 =	sand.u32 $0x4000, s31;
	s1 =	sadd.s32 s1, s30  }
0xbb: {  	s0 =	sor.u32 s3, s0;
	s1 =	sshll.u32 s1, $0x11  }
0xbc: {  	s0 =	sor.u32 s1, s0  }
0xbd: {  	s0 =	sadd.s32 $0x8F2B, s0  }
0xbe: {  	[sflag:s0] =	ssyncadd.remote.s32 $0x1  }
0xbf: {  	_ =	sfence.sel $0xFFFF  }
0xc0: {  	[dreg:$0x0] =	wrdreg $0xFFFFFFFF;
	(pc) =	sbr.abs _section_cstart, $3  }
0xc1: {  	[dreg:$0x1] =	wrdreg $0xFFFFFFFF  }
0xc2: {  	_ =	task.clear_ibuf [dreg:s7], $0x2FFFF;
	_ =	strace $0x9FFFFFFF  }
0xc3: {  	(tm) =	ssettm $0x7FFFFFFF  }
tec
execute0_lowered:
.L_overlay_start_1:
0x0: {  	(tag) =	ssettag $0x1  }
0x1: {  	s0 =	rddreg [dreg:$0x0]  }
0x2: {  	s5 =	rddreg [dreg:$0x1];
	s1 =	srdreg.scid  }
0x3: {  	s3 =	rddreg [dreg:$0x2];
	s2 =	stileid.u32  }
0x4: {  	s4 =	simm.s32 $0x0;
	s13 =	simm.s32 $0x3;
	s14 =	simm.s32 $0x8000  }
0x5: {  	s15 =	simm.s32 $0x10000;
	s16 =	simm.s32 $0x50;
	s17 =	simm.s32 $0x12800  }
0x6: {  	s18 =	simm.s32 $0x1;
	s19 =	simm.s32 $0x2;
	s21 =	simm.s32 $0xFC00  }
0x7: {  	s22 =	simm.s32 $0xFC80;
	s24 =	simm.s32 $0x0;
	s8 =	smul.u32 $0x1F400, s2  }
0x8: {  	s7 =	sand.u32 $0x1, s1;
	s1 =	rddreg [dreg:$0x3];
	s11 =	smul.u32 $0x28000, s2  }
0x9: {  	[smem:$0x7FF] =	sst s4;
	s9 =	sshll.u32 s2, $0xC;
	s12 =	smul.u32 $0x7D000, s2  }
0xa: {  	p0 =	sgt.u32 s2, $0x4;
	s6 =	smul.u32 $0x9C400, s7;
	_ =	strace $0x8000004D  }
0xb: {  	s26 =	sadd.s32 s9, s5;
	s28 =	ssub.s32 $0x2, s7;
	s20 =	smul.u32 $0x1388, s7  }
0xc: {  	s29 =	sshrl.u32 s28, $0x1;
	s30 =	sshrl.u32 s11, $0x2;
	s31 =	sshrl.u32 s12, $0x2  }
0xd: {  	s6 =	sadd.s32 s8, s6;
	s9 =	ssub.s32 s28, s29;
	s8 =	sadd.s32 s30, s3  }
0xe: {  	s23 =	sadd.s32 s31, s3;
	v0 =	vmov s20;
	s20 =	simm.s32 $0x7C80;
	s6 =	sshrl.u32 s6, $0x3  }
0xf: {  	s9 =	smax.u32 s9, $0x1;
	s11 =	sadd.s32 $0x5000, s8;
	s12 =	sadd.s32 $0x7800, s8  }
0x10: {  	s23 =	sshrl.u32 @!p0 s23, $0x3;
	s10 =	sadd.s32 s6, s5;
	s5 =	sadd.s32 $0x17600, s26  }
0x11: {  	v2 =	vimm.f32 $0.0e+00;
	v1 =	vadd.s32 $0x1388, v0;
	s6 =	sadd.s32 $0x7600, s26;
	s7 =	sadd.s32 $0x27600, s10;
	s10 =	sadd.s32 $0x2800, s8  }
.LBB2_1:
0x12: {  	[tilespmem:s4], [sflag:$0x3] =	stream.linear.gather [hbm4b:s5+s4], $0x7D00, $0x38;
	[tilespmem:$0x1F000] =	vst v63  }
0x13: {  	_ =	swait.ge [sflag:s13], $0x7D00  }
0x14: {  	[sflag:s13] =	ssyncset.done $0x0  }
0x15: {  	[sflag:s13] =	ssyncadd.s32 $0xFFFF8300  }
0x16: {  	[tilespmem:s14], [sflag:$0x3] =	stream.linear.gather [hbm4b:s6+s4], $0x7D00, $0x38;
	[tilespmem:$0x1F000] =	vst v63  }
0x17: {  	_ =	swait.ge [sflag:s13], $0x7D00  }
0x18: {  	[sflag:s13] =	ssyncset.done $0x0  }
0x19: {  	s25 =	simm.s32 $0x70;
	s26 =	simm.s32 $0x3C0;
	[sflag:s13] =	ssyncadd.s32 $0xFFFF8300  }
.LBB2_2:
0x1a: {  	p1 =	sne.s32 s26, $0x9FC0;
	[tilespmem:s25+$0x10000] =	vst v2  }
0x1b: {  	[tilespmem:s25+$0xFF90] =	vst v2  }
0x1c: {  	[tilespmem:s25+$0xFFA0] =	vst v2  }
.Ltmp0:
0x1d: {  	[tilespmem:s25+$0xFFB0] =	vst v2;
	(pc) =	sbr.rel @p1 .LBB2_2-.Ltmp0, $4  }
0x1e: {  	[tilespmem:s25+$0xFFC0] =	vst v2  }
0x1f: {  	[tilespmem:s25+$0xFFD0] =	vst v2  }
0x20: {  	[tilespmem:s25+$0xFFE0] =	vst v2  }
0x21: {  	[tilespmem:s25+$0xFFF0] =	vst v2;
	s25 =	sshra.s32 s26, $0x2;
	s26 =	sadd.s32 $0x200, s26  }
0x22: {  	[tilespmem:s25+$0x10000] =	vst v2  }
0x23: {  	[tilespmem:s25+$0xFF90] =	vst v2  }
0x24: {  	[tilespmem:s25+$0xFFA0] =	vst v2  }
0x25: {  	[tilespmem:s25+$0xFFB0] =	vst v2  }
0x26: {  	[tilespmem:s25+$0xFFC0] =	vst v2  }
0x27: {  	[tilespmem:s25+$0xFFD0] =	vst v2  }
0x28: {  	[tilespmem:s25+$0xFFE0] =	vst v2  }
0x29: {  	[tilespmem:s25+$0xFFF0] =	vst v2  }
0x2a: {  	[spmem:s8] =	stream.linear.scatter [tilespmem:s15], [sflag:$0x3], $0x2800, $0x38;
	[tilespmem:$0x1F000] =	vst v63  }
0x2b: {  	_ =	swait.ge [sflag:s13], $0x2800  }
0x2c: {  	[sflag:s13] =	ssyncset.done $0x0  }
0x2d: {  	[sflag:s13] =	ssyncadd.s32 $0xFFFFD800  }
0x2e: {  	[spmem:s10] =	stream.linear.scatter [tilespmem:s15], [sflag:$0x3], $0x2800, $0x38;
	[tilespmem:$0x1F000] =	vst v63  }
0x2f: {  	_ =	swait.ge [sflag:s13], $0x2800  }
0x30: {  	[sflag:s13] =	ssyncset.done $0x0  }
0x31: {  	[sflag:s13] =	ssyncadd.s32 $0xFFFFD800  }
0x32: {  	[spmem:s11] =	stream.linear.scatter [tilespmem:s15], [sflag:$0x3], $0x2800, $0x38;
	[tilespmem:$0x1F000] =	vst v63  }
0x33: {  	_ =	swait.ge [sflag:s13], $0x2800  }
0x34: {  	[sflag:s13] =	ssyncset.done $0x0  }
0x35: {  	[sflag:s13] =	ssyncadd.s32 $0xFFFFD800  }
0x36: {  	[spmem:s12] =	stream.linear.scatter [tilespmem:s15], [sflag:$0x3], $0x2800, $0x38;
	[tilespmem:$0x1F000] =	vst v63  }
0x37: {  	_ =	swait.ge [sflag:s13], $0x2800  }
0x38: {  	[sflag:s13] =	ssyncset.done $0x0  }
0x39: {  	s26 =	simm.s32 $0x40;
	[sflag:s13] =	ssyncadd.s32 $0xFFFFD800  }
0x3a: {  	v3 =	vld [tilespmem:s26+$0x7FF0];
	_ =	sdelay $0x1  }
0x3b: {  	v4 =	vld [tilespmem:s26+$0x7FD0]  }
0x3c: {  	v6 =	vld [tilespmem:s26+$0x7FC0];
	_ =	sdelay $0x1  }
0x3d: {  	vm0 =	vge.s32 v3, v0;
	vm1 =	vlt.s32 v3, v1;
	v5 =	vand.u32 $0x3F, v3  }
0x3e: {  	v3 =	vsub.s32 v3, v0;
	vm0 =	vmand vm0, vm1;
	v5 =	vadd.s32 $0x1388, v5  }
0x3f: {  	v7 =	vand.u32 $0x3F, v4;
	v3 =	vsel vm0, v3, v5  }
0x40: {  	s25 =	simm.s32 $0xC0;
	vm2 =	vlt.s32 v6, v1;
	vm1 =	vge.s32 v4, v0;
	vm0 =	vlt.s32 v4, v1;
	[tilespmem:s26+$0x7FF0] =	vst v3;
	v3 =	vld [tilespmem:s26+$0x7FE0]  }
0x41: {  	v5 =	vsub.s32 v4, v0;
	v4 =	vadd.s32 $0x1388, v7;
	v7 =	vand.u32 $0x3F, v6;
	v8 =	vld [tilespmem:s25+$0x7FF0]  }
0x42: {  	vm0 =	vmand vm1, vm0;
	vm1 =	vge.s32 v6, v0;
	v6 =	vsub.s32 v6, v0  }
0x43: {  	v7 =	vadd.s32 $0x1388, v7;
	v4 =	vsel vm0, v5, v4;
	vm0 =	vmand vm1, vm2  }
0x44: {  	[tilespmem:s26+$0x7FD0] =	vst v4;
	v4 =	vsel vm0, v6, v7  }
0x45: {  	v5 =	vld [tilespmem:s25+$0x7FD0];
	[tilespmem:s26+$0x7FC0] =	vst v4;
	vm0 =	vge.s32 v3, v0;
	vm1 =	vlt.s32 v3, v1  }
0x46: {  	v6 =	vld [tilespmem:s25+$0x7FC0];
	v4 =	vand.u32 $0x3F, v3;
	vm2 =	vge.s32 v8, v0;
	vm0 =	vmand vm0, vm1  }
0x47: {  	vm1 =	vlt.s32 v8, v1;
	v9 =	vand.u32 $0x3F, v8;
	v7 =	vadd.s32 $0x1388, v4;
	v4 =	vld [tilespmem:s26+$0x8000]  }
0x48: {  	s28 =	simm.s32 $0x500;
	v8 =	vsub.s32 v8, v0;
	vm1 =	vmand vm2, vm1;
	v9 =	vadd.s32 $0x1388, v9  }
.LBB2_4:
0x49: {  	s29 =	sshra.s32 s28, $0x2;
	p1 =	sne.s32 s28, $0x1F300;
	s28 =	sadd.s32 $0x200, s28;
	v8 =	vsel vm1, v8, v9;
	v3 =	vsub.s32 v3, v0  }
0x4a: {  	vm1 =	vlt.s32 v5, v1;
	v9 =	vsub.s32 v5, v0;
	[tilespmem:s25+$0x7FF0] =	vst v8;
	v3 =	vsel vm0, v3, v7  }
0x4b: {  	v8 =	vand.u32 $0x3F, v5;
	vm0 =	vlt.s32 v6, v1;
	v7 =	vsub.s32 v6, v0;
	[tilespmem:s26+$0x7FE0] =	vst v3  }
0x4c: {  	vm2 =	vge.s32 v5, v0;
	v5 =	vadd.s32 $0x1388, v8;
	v3 =	vld [tilespmem:s25+$0x7FE0];
	vm3 =	vge.s32 v4, v0  }
0x4d: {  	vm1 =	vmand vm2, vm1;
	v10 =	vand.u32 $0x3F, v6;
	v11 =	vand.u32 $0x3F, v4;
	v8 =	vld [tilespmem:s29+$0x7FF0]  }
0x4e: {  	vm2 =	vge.s32 v6, v0;
	v5 =	vsel vm1, v9, v5;
	vm1 =	vlt.s32 v4, v1  }
0x4f: {  	vm0 =	vmand vm2, vm0;
	v6 =	vadd.s32 $0x1388, v10;
	v9 =	vadd.s32 $0x1388, v11;
	[tilespmem:s25+$0x7FD0] =	vst v5  }
.Ltmp1:
0x50: {  	v4 =	vsub.s32 v4, v0;
	v6 =	vsel vm0, v7, v6;
	vm0 =	vmand vm3, vm1;
	v5 =	vld [tilespmem:s29+$0x7FD0];
	(pc) =	sbr.rel @p1 .LBB2_4-.Ltmp1, $4  }
0x51: {  	v4 =	vsel vm0, v4, v9;
	[tilespmem:s25+$0x7FC0] =	vst v6;
	vm1 =	vge.s32 v3, v0;
	vm2 =	vlt.s32 v3, v1  }
0x52: {  	v7 =	vand.u32 $0x3F, v3;
	v6 =	vld [tilespmem:s29+$0x7FC0];
	vm3 =	vge.s32 v8, v0;
	vm0 =	vmand vm1, vm2;
	[tilespmem:s26+$0x8000] =	vst v4;
	s26 =	smov.u32 s25;
	s25 =	smov.u32 s29  }
0x53: {  	vm1 =	vlt.s32 v8, v1;
	v9 =	vand.u32 $0x3F, v8;
	v7 =	vadd.s32 $0x1388, v7;
	v4 =	vld [tilespmem:s26+$0x8000]  }
0x54: {  	v8 =	vsub.s32 v8, v0;
	vm1 =	vmand vm3, vm1;
	v9 =	vadd.s32 $0x1388, v9  }
0x55: {  	v8 =	vsel vm1, v8, v9;
	v3 =	vsub.s32 v3, v0  }
0x56: {  	vm7 =	vlt.s32 v5, v1;
	v53 =	vsub.s32 v5, v0;
	v10 =	vand.u32 $0x3F, v5  }
0x57: {  	vm2 =	vge.s32 v5, v0;
	v3 =	vsel vm0, v3, v7;
	v55 =	vadd.s32 $0x1388, v10  }
0x58: {  	[tilespmem:s25+$0x7FF0] =	vst v8;
	vm1 =	vmand vm2, vm7;
	vm8 =	vlt.s32 v6, v1;
	v54 =	vsub.s32 v6, v0  }
0x59: {  	v56 =	vand.u32 $0x3F, v6;
	[tilespmem:s26+$0x7FE0] =	vst v3;
	vm9 =	vge.s32 v6, v0;
	v3 =	vsel vm1, v53, v55  }
0x5a: {  	vm3 =	vge.s32 v4, v0;
	v57 =	vand.u32 $0x3F, v4;
	vm10 =	vlt.s32 v4, v1  }
0x5b: {  	vm0 =	vmand vm9, vm8;
	v59 =	vadd.s32 $0x1388, v56;
	v61 =	vsub.s32 v4, v0  }
0x5c: {  	v58 =	vld [tilespmem:s25+$0x7FE0];
	[tilespmem:s25+$0x7FD0] =	vst v3;
	v60 =	vadd.s32 $0x1388, v57;
	v3 =	vsel vm0, v54, v59;
	vm11 =	vmand vm3, vm10  }
0x5d: {  	[tilespmem:s25+$0x7FC0] =	vst v3;
	v3 =	vsel vm11, v61, v60  }
0x5e: {  	[tilespmem:s26+$0x8000] =	vst v3  }
0x5f: {  	v3 =	vld [tilespmem:s25+$0x8000];
	_ =	sdelay $0x1  }
0x60: {  	vm12 =	vge.s32 v58, v0;
	vm13 =	vlt.s32 v58, v1;
	v62 =	vand.u32 $0x3F, v58  }
0x61: {  	v5 =	vsub.s32 v58, v0;
	vm0 =	vmand vm12, vm13;
	v4 =	vadd.s32 $0x1388, v62  }
0x62: {  	v4 =	vsel vm0, v5, v4  }
0x63: {  	vm14 =	vge.s32 v3, v0;
	v63 =	vand.u32 $0x3F, v3;
	vm15 =	vlt.s32 v3, v1  }
0x64: {  	v3 =	vsub.s32 v3, v0;
	v5 =	vadd.s32 $0x1388, v63;
	vm0 =	vmand vm14, vm15  }
0x65: {  	[tilespmem:s25+$0x7FE0] =	vst v4;
	v3 =	vsel vm0, v3, v5  }
0x66: {  	s26 =	simm.s32 $0x0;
	[tilespmem:s25+$0x8000] =	vst v3  }
0x67: {  	[tilespmem:s15], [sflag:$0x1] =	stream.indirect.gather [hbm4b:s0+s16], $0x80, s26, s16, $0xb8;
	[tilespmem:$0x1F000] =	vst v63  }
0x68: {  	s28 =	simm.s32 $0x80;
	[bflag:$0x0] =	sbarrier.arrive $0xFFFF  }
0x69: {  	[tilespmem:s17], [sflag:$0x2] =	stream.indirect.gather [hbm4b:s0+s16], $0x80, s28, s16, $0xb8;
	[tilespmem:$0x1F000] =	vst v63  }
0x6a: {  	_ =	swait.ge [sflag:s18], $0x2800  }
0x6b: {  	[sflag:s18] =	ssyncset.done $0x0  }
0x6c: {  	s29 =	simm.s32 $0x8000;
	[sflag:s18] =	ssyncadd.s32 $0xFFFFD800  }
0x6d: {  	[spmem:s3] =	stream.indirect.scatter.add.f32 [tilespmem:s15], [sflag:$0x3], $0x80, s29, s16, $0xb8;
	[tilespmem:$0x1F000] =	vst v63  }
0x6e: {  	_ =	swait.ge [sflag:s13], $0x2800  }
0x6f: {  	[sflag:s13] =	ssyncset.done $0x0  }
0x70: {  	s30 =	simm.s32 $0x100;
	[sflag:s13] =	ssyncadd.s32 $0xFFFFD800  }
0x71: {  	[tilespmem:s15], [sflag:$0x1] =	stream.indirect.gather [hbm4b:s0+s16], $0x80, s30, s16, $0xb8;
	[tilespmem:$0x1F000] =	vst v63  }
0x72: {  	_ =	swait.ge [sflag:s19], $0x2800  }
0x73: {  	[sflag:s19] =	ssyncset.done $0x0  }
0x74: {  	s31 =	simm.s32 $0x8080;
	[sflag:s19] =	ssyncadd.s32 $0xFFFFD800  }
0x75: {  	[spmem:s3] =	stream.indirect.scatter.add.f32 [tilespmem:s17], [sflag:$0x3], $0x80, s31, s16, $0xb8;
	[tilespmem:$0x1F000] =	vst v63  }
0x76: {  	_ =	swait.ge [sflag:s13], $0x2800  }
0x77: {  	s25 =	simm.s32 $0x100;
	s26 =	simm.s32 $0x800;
	[sflag:s13] =	ssyncset.done $0x0  }
.LBB2_6:
0x78: {  	s28 =	sadd.s32 $0x80, s25  }
0x79: {  	[sflag:s13] =	ssyncadd.s32 $0xFFFFD800;
	s29 =	smov.u32 s26;
	s30 =	sadd.s32 $0x400, s26  }
0x7a: {  	[tilespmem:s17], [sflag:$0x2] =	stream.indirect.gather [hbm4b:s0+s16], $0x80, s28, s16, $0xb8;
	[tilespmem:$0x1F000] =	vst v63  }
0x7b: {  	p1 =	sne.s32 s26, $0x1EC00;
	_ =	swait.ge [sflag:s18], $0x2800  }
0x7c: {  	[sflag:s18] =	ssyncset.done $0x0  }
0x7d: {  	s26 =	sadd.s32 $0x8000, s25;
	[sflag:s18] =	ssyncadd.s32 $0xFFFFD800  }
0x7e: {  	[spmem:s3] =	stream.indirect.scatter.add.f32 [tilespmem:s15], [sflag:$0x3], $0x80, s26, s16, $0xb8;
	[tilespmem:$0x1F000] =	vst v63  }
0x7f: {  	_ =	swait.ge [sflag:s13], $0x2800  }
0x80: {  	[sflag:s13] =	ssyncset.done $0x0  }
0x81: {  	s26 =	sadd.s32 $0x100, s25;
	[sflag:s13] =	ssyncadd.s32 $0xFFFFD800  }
0x82: {  	[tilespmem:s15], [sflag:$0x1] =	stream.indirect.gather [hbm4b:s0+s16], $0x80, s26, s16, $0xb8;
	[tilespmem:$0x1F000] =	vst v63  }
0x83: {  	_ =	swait.ge [sflag:s19], $0x2800  }
.Ltmp2:
0x84: {  	[sflag:s19] =	ssyncset.done $0x0;
	(pc) =	sbr.rel @p1 .LBB2_6-.Ltmp2, $4  }
0x85: {  	s25 =	sadd.s32 $0x8080, s25;
	[sflag:s19] =	ssyncadd.s32 $0xFFFFD800  }
0x86: {  	[spmem:s3] =	stream.indirect.scatter.add.f32 [tilespmem:s17], [sflag:$0x3], $0x80, s25, s16, $0xb8;
	[tilespmem:$0x1F000] =	vst v63  }
0x87: {  	_ =	swait.ge [sflag:s13], $0x2800  }
0x88: {  	s26 =	smov.u32 s30;
	s25 =	sshra.s32 s29, $0x2;
	[sflag:s13] =	ssyncset.done $0x0  }
0x89: {  	s26 =	sadd.s32 $0x80, s25;
	[sflag:s13] =	ssyncadd.s32 $0xFFFFD800  }
0x8a: {  	[tilespmem:s17], [sflag:$0x2] =	stream.indirect.gather [hbm4b:s0+s16], $0x80, s26, s16, $0xb8;
	[tilespmem:$0x1F000] =	vst v63  }
0x8b: {  	_ =	swait.ge [sflag:s18], $0x2800  }
0x8c: {  	[sflag:s18] =	ssyncset.done $0x0  }
0x8d: {  	s29 =	sadd.s32 $0x8000, s25;
	[sflag:s18] =	ssyncadd.s32 $0xFFFFD800  }
0x8e: {  	[spmem:s3] =	stream.indirect.scatter.add.f32 [tilespmem:s15], [sflag:$0x3], $0x80, s29, s16, $0xb8;
	[tilespmem:$0x1F000] =	vst v63  }
0x8f: {  	_ =	swait.ge [sflag:s13], $0x2800  }
0x90: {  	[sflag:s13] =	ssyncset.done $0x0  }
0x91: {  	s30 =	sadd.s32 $0x100, s25;
	[sflag:s13] =	ssyncadd.s32 $0xFFFFD800  }
0x92: {  	[tilespmem:s15], [sflag:$0x1] =	stream.indirect.gather [hbm4b:s0+s16], $0x80, s30, s16, $0xb8;
	[tilespmem:$0x1F000] =	vst v63  }
0x93: {  	_ =	swait.ge [sflag:s19], $0x2800  }
0x94: {  	[sflag:s19] =	ssyncset.done $0x0  }
0x95: {  	s31 =	sadd.s32 $0x8080, s25;
	[sflag:s19] =	ssyncadd.s32 $0xFFFFD800  }
0x96: {  	[spmem:s3] =	stream.indirect.scatter.add.f32 [tilespmem:s17], [sflag:$0x3], $0x80, s31, s16, $0xb8;
	[tilespmem:$0x1F000] =	vst v63  }
0x97: {  	_ =	swait.ge [sflag:s13], $0x2800  }
0x98: {  	[sflag:s13] =	ssyncset.done $0x0  }
0x99: {  	[sflag:s13] =	ssyncadd.s32 $0xFFFFD800  }
0x9a: {  	[tilespmem:s17], [sflag:$0x2] =	stream.indirect.gather [hbm4b:s0+s16], $0x80, s20, s16, $0xb8;
	[tilespmem:$0x1F000] =	vst v63  }
0x9b: {  	_ =	swait.ge [sflag:s18], $0x2800  }
0x9c: {  	[sflag:s18] =	ssyncset.done $0x0  }
0x9d: {  	[sflag:s18] =	ssyncadd.s32 $0xFFFFD800  }
0x9e: {  	[spmem:s3] =	stream.indirect.scatter.add.f32 [tilespmem:s15], [sflag:$0x3], $0x80, s21, s16, $0xb8;
	[tilespmem:$0x1F000] =	vst v63  }
0x9f: {  	_ =	swait.ge [sflag:s13], $0x2800  }
0xa0: {  	[sflag:s13] =	ssyncset.done $0x0  }
0xa1: {  	[sflag:s13] =	ssyncadd.s32 $0xFFFFD800  }
0xa2: {  	_ =	swait.ge [sflag:s19], $0x2800  }
0xa3: {  	[sflag:s19] =	ssyncset.done $0x0  }
0xa4: {  	[sflag:s19] =	ssyncadd.s32 $0xFFFFD800  }
0xa5: {  	[spmem:s3] =	stream.indirect.scatter.add.f32 [tilespmem:s17], [sflag:$0x3], $0x80, s22, s16, $0xb8;
	[tilespmem:$0x1F000] =	vst v63  }
0xa6: {  	_ =	swait.ge [sflag:s13], $0x2800  }
0xa7: {  	[sflag:s13] =	ssyncset.done $0x0  }
0xa8: {  	s25 =	sshll.u32 @!p0 s2, $0x6;
	s24 =	sadd.s32 $0x1, s24;
	[sflag:s13] =	ssyncadd.s32 $0xFFFFD800  }
0xa9: {  	s25 =	sor.u32 @!p0 $0x1C03, s25;
	p1 =	sne.s32 s24, s9;
	[bflag:$0x0] =	sbarrier.arrive $0xFFFF  }
0xaa: {  	[hbm:s7], [sflag:s25] =	dma.local @!p0 [spmem:s23], $0x3E80  }
.Ltmp3:
0xab: {  	_ = 	snop;
	(pc) =	sbr.rel @p1 .LBB2_1-.Ltmp3, $4  }
0xac: {  	s25 =	simm.s32 @!p0 $0x3  }
0xad: {  	_ =	swait.ge @!p0 [sflag:s25], $0x3E80  }
0xae: {  	[sflag:s25] =	ssyncset.done @!p0 $0x0  }
0xaf: {  	[sflag:s25] =	ssyncadd.s32 @!p0 $0xFFFFC180  }
0xb0: {  	_ =	sfence.sel $0x180000  }
0xb1: {  	[bflag:$0x0] =	sbarrier.arrive $0xFFFF  }
0xb2: {  	p0 =	sne.s32 s2, $0x0;
	_ =	strace $0x9000004D  }
0xb3: {  	s0 =	sadd.s32 @!p0 $0x100000, s1;
	[bflag:$0x2] =	sbarrier.arrive $0xFFFF  }
0xb4: {  	[sflag:s0] =	ssyncadd.tile.s32 @!p0 $0x1;
	_ =	shalt  }
.Lfunc_end2:
_tile_overlayer_lowered:
.L_overlay_start_2:
0xb5: {  	(tag) =	ssettag $0x2  }
0xb6: {  	s0 =	rddreg [dreg:$0x0];
	s2 =	stileid.u32  }
0xb7: {  	s1 =	rddreg [dreg:$0x1];
	p0 =	sne.s32 s2, $0x0  }
0xb8: {  	s3 =	rddreg [dreg:$0x2];
	[bflag:$0x3] =	sbarrier.arrive $0xFFFF;
	s2 =	simm.s32 @!p0 $0x1C03  }
0xb9: {  	[timem:s3], [sflag:s2] =	dma.local @!p0 [hbm:s0], s1  }
0xba: {  	s0 =	simm.s32 @!p0 $0x3  }
0xbb: {  	_ =	swait.ge @!p0 [sflag:s0], s1  }
0xbc: {  	s1 =	ssub.s32 @!p0 $0x0, s1;
	[sflag:s0] =	ssyncset.done @!p0 $0x0  }
0xbd: {  	[sflag:s0] =	ssyncadd.s32 @!p0 s1  }
0xbe: {  	[bflag:$0x3] =	sbarrier.arrive $0xFFFF  }
0xbf: {  	_ =	shalt  }

// kernel: kernel.9.cloned.1.call-start
scs
__scs_entry_jumppad:
0x0: {  	(pc) =	sbr.rel $0x88, $3  }
0x1: {  	(tag) =	ssettag $0x0;
	lr =	simm.s32 $0x1  }
0x2: {  	[smem:$0x3F99] =	sst lr;
	_ =	strace $0xD0000000  }
0x3: {  	_ = 	snop  }
0x4: {  	_ = 	snop  }
0x5: {  	_ = 	snop  }
0x6: {  	_ = 	snop  }
0x7: {  	_ = 	snop  }
__scs_overlays_trampoline_lowered:
0x8: {  	[smem:$0x3FA8] =	sst s0  }
0x9: {  	[smem:$0x3FA9] =	sst s1  }
0xa: {  	[smem:$0x3FAA] =	sst s2  }
0xb: {  	[smem:$0x3FAB] =	sst s3  }
0xc: {  	[smem:$0x3FAC] =	sst s4  }
0xd: {  	[smem:$0x3FAD] =	sst s5  }
0xe: {  	[smem:$0x3FAE] =	sst s6  }
0xf: {  	[smem:$0x3FAF] =	sst s7  }
0x10: {  	[smem:$0x3FB0] =	sst s8  }
0x11: {  	[smem:$0x3FB1] =	sst s9;
	s0 =	simm.s32 @!p0 $0x0  }
0x12: {  	s1 =	sld [smem:$0x3F97];
	s0 =	simm.s32 @p0 $0x1  }
0x13: {  	[smem:$0x3FB2] =	sst s0;
	s0 =	simm.s32 @!p1 $0x0  }
0x14: {  	s2 =	sld [smem:$0x3F96];
	s0 =	simm.s32 @p1 $0x1  }
0x15: {  	[smem:$0x3FB3] =	sst s0;
	s0 =	simm.s32 @!p2 $0x0  }
0x16: {  	s3 =	sld [smem:$0x3FDB];
	s0 =	simm.s32 @p2 $0x1  }
0x17: {  	s4 =	simm.s32 $0x1BF5;
	[smem:$0x3FB5] =	sst s0  }
0x18: {  	s0 =	sld [smem:$0x3F98];
	_ =	swait.ge [sflag:s4], $0x0  }
0x19: {  	s7 =	sld [smem:$0x3F99]  }
0x1a: {  	s8 =	sadd.s32 $0xFFFFE003, lr  }
0x1b: {  	s9 =	sadd.s32 $0xFFFFFEF7, lr;
	s5 =	simm.s32 $0xFFFFFFFF;
	p2 =	slt.u32 s8, $0xFFFFF086  }
0x1c: {  	p1 =	slt.u32 s9, $0xF7A;
	s5 =	simm.s32 @!p2 $0x0  }
0x1d: {  	s5 =	simm.s32 @p1 $0x1;
	p0 =	seq.s32 s7, s2  }
0x1e: {  	s7 =	smul.u32 @!p0 $0xF7A, s2;
	p2 =	seq.s32 @!p0 s5, $0x0  }
0x1f: {  	s9 =	smul.u32 $0xF7A, s1;
	s8 =	simm.s32 @!p0 $0x1BF5;
	p2 =	por !p2, p0  }
0x20: {  	[sflag:s8] =	ssyncset.s32 @!p0 $0xFFFFF086;
	s6 =	sadd.s32 @!p0 s3, s7;
	s7 =	simm.s32 @!p0 $0x108  }
0x21: {  	s3 =	sadd.s32 s3, s9;
	s6 =	sadd.s32 @!p0 $0x88, s6;
	s7 =	simm.s32 @p2 $0x1082  }
0x22: {  	[simem:s7], [sflag:s8] =	dma.local @!p0 [hbm:s6], $0xF7A  }
0x23: {  	s9 =	sor.u32 $0xD0000000, s2;
	s6 =	simm.s32 $0x108;
	_ =	swait.ge @!p0 [sflag:s8], $0x0  }
0x24: {  	s3 =	sadd.s32 $0x88, s3;
	s6 =	simm.s32 @!p1 $0x1082;
	[sflag:s4] =	ssyncset.s32 $0xFFFFF086  }
0x25: {  	[simem:s6], [sflag:s4] =	dma.local [hbm:s3], $0xF7A  }
0x26: {  	[smem:$0x3F99] =	sst s1;
	(tag) =	ssettag s2;
	_ =	strace s9  }
0x27: {  	s1 =	sld [smem:$0x3FA9]  }
0x28: {  	s2 =	sld [smem:$0x3FAA]  }
0x29: {  	s4 =	sld [smem:$0x3FAC]  }
0x2a: {  	p0 =	seq.s32 s5, $0x0;
	s5 =	sld [smem:$0x3FAD]  }
0x2b: {  	s6 =	sld [smem:$0x3FAE]  }
0x2c: {  	s7 =	sld [smem:$0x3FAF]  }
0x2d: {  	s3 =	simm.s32 $0x108;
	s8 =	sld [smem:$0x3FB0]  }
0x2e: {  	s3 =	simm.s32 @!p0 $0x1082;
	s9 =	sld [smem:$0x3FB1]  }
0x2f: {  	lr =	sadd.s32 s0, s3;
	s0 =	sld [smem:$0x3FA8]  }
0x30: {  	s3 =	sld [smem:$0x3FAB]  }
0x31: {  	[smem:$0x3FB4] =	sst s10  }
0x32: {  	s10 =	sld [smem:$0x3FB2];
	_ =	sdelay $0x3  }
0x33: {  	p0 =	seq.s32 s10, $0x1;
	s10 =	sld [smem:$0x3FB4];
	_ =	sdelay $0x3  }
0x34: {  	[smem:$0x3FB4] =	sst s10  }
0x35: {  	s10 =	sld [smem:$0x3FB3];
	_ =	sdelay $0x3  }
0x36: {  	p1 =	seq.s32 s10, $0x1;
	s10 =	sld [smem:$0x3FB4];
	_ =	sdelay $0x3  }
0x37: {  	[smem:$0x3FB4] =	sst s10  }
0x38: {  	s10 =	sld [smem:$0x3FB5]  }
0x39: {  	_ = 	snop;
	(pc) =	sbr.ind lr, $3  }
0x3a: {  	_ = 	snop  }
0x3b: {  	_ = 	snop  }
0x3c: {  	p2 =	seq.s32 s10, $0x1;
	s10 =	sld [smem:$0x3FB4]  }
0x3d: {  	_ =	shalt  }
0x3e: {  	_ =	shalt  }
0x3f: {  	_ =	shalt  }
0x40: {  	_ =	shalt  }
0x41: {  	_ =	shalt  }
0x42: {  	_ =	shalt  }
0x43: {  	_ =	shalt  }
0x44: {  	_ =	shalt  }
0x45: {  	_ =	shalt  }
0x46: {  	_ =	shalt  }
0x47: {  	_ =	shalt  }
0x48: {  	_ =	shalt  }
0x49: {  	_ =	shalt  }
0x4a: {  	_ =	shalt  }
0x4b: {  	_ =	shalt  }
0x4c: {  	_ =	shalt  }
0x4d: {  	_ =	shalt  }
0x4e: {  	_ =	shalt  }
0x4f: {  	_ =	shalt  }
0x50: {  	_ =	shalt  }
0x51: {  	_ =	shalt  }
0x52: {  	_ =	shalt  }
0x53: {  	_ =	shalt  }
0x54: {  	_ =	shalt  }
0x55: {  	_ =	shalt  }
0x56: {  	_ =	shalt  }
0x57: {  	_ =	shalt  }
0x58: {  	_ =	shalt  }
0x59: {  	_ =	shalt  }
0x5a: {  	_ =	shalt  }
0x5b: {  	_ =	shalt  }
0x5c: {  	_ =	shalt  }
0x5d: {  	_ =	shalt  }
0x5e: {  	_ =	shalt  }
0x5f: {  	_ =	shalt  }
0x60: {  	_ =	shalt  }
0x61: {  	_ =	shalt  }
0x62: {  	_ =	shalt  }
0x63: {  	_ =	shalt  }
0x64: {  	_ =	shalt  }
0x65: {  	_ =	shalt  }
0x66: {  	_ =	shalt  }
0x67: {  	_ =	shalt  }
0x68: {  	_ =	shalt  }
0x69: {  	_ =	shalt  }
0x6a: {  	_ =	shalt  }
0x6b: {  	_ =	shalt  }
0x6c: {  	_ =	shalt  }
0x6d: {  	_ =	shalt  }
0x6e: {  	_ =	shalt  }
0x6f: {  	_ =	shalt  }
0x70: {  	_ =	shalt  }
0x71: {  	_ =	shalt  }
0x72: {  	_ =	shalt  }
0x73: {  	_ =	shalt  }
0x74: {  	_ =	shalt  }
0x75: {  	_ =	shalt  }
0x76: {  	_ =	shalt  }
0x77: {  	_ =	shalt  }
0x78: {  	_ =	shalt  }
0x79: {  	_ =	shalt  }
0x7a: {  	_ =	shalt  }
0x7b: {  	_ =	shalt  }
0x7c: {  	_ =	shalt  }
0x7d: {  	_ =	shalt  }
0x7e: {  	_ =	shalt  }
0x7f: {  	_ =	shalt  }
0x80: {  	_ =	shalt  }
0x81: {  	_ =	shalt  }
0x82: {  	_ =	shalt  }
0x83: {  	_ =	shalt  }
0x84: {  	_ =	shalt  }
0x85: {  	_ =	shalt  }
0x86: {  	_ =	shalt  }
0x87: {  	_ =	shalt  }
.Lfunc_end0:
.L_simem_size_0:
called_computation_lowered:
.L_overlay_start_0:
0x88: {  	s2 =	sld [smem:$0x3FD9]  }
0x89: {  	s3 =	sld [smem:$0x3FFE];
	_ =	sdelay $0x1  }
0x8a: {  	s1 =	srdreg.scid  }
0x8b: {  	s0 =	sand.u32 $0x1, s1  }
0x8c: {  	s17 =	sshll.u32 s0, $0xA;
	s2 =	sadd.s32 s3, s2  }
0x8d: {  	s2 =	sadd.s32 s2, s17  }
0x8e: {  	[smem:$0x3FC0] =	sst s2  }
0x8f: {  	_ = 	snop  }
0x90: {  	s2 =	sld [smem:$0x3FD0];
	(tm) =	ssettm $0x1  }
0x91: {  	s18 =	sld [smem:$0x3FFB];
	_ =	sdelay $0x3  }
0x92: {  	_ =	strace s18  }
0x93: {  	s3 =	sld [smem:$0x3FFC];
	_ =	sdelay $0x3  }
0x94: {  	_ =	strace s3  }
0x95: {  	s3 =	sld [smem:$0x3FFD];
	_ =	sdelay $0x3  }
0x96: {  	_ =	strace s3  }
0x97: {  	_ =	strace $0x8FFFFFFF  }
0x98: {  	s19 =	sld [smem:$0x3FDB];
	_ =	sdelay $0x1  }
0x99: {  	s4 =	simm.s32 $_scs_section_size  }
0x9a: {  	s5 =	simm.s32 $_size__tile_overlayer_lowered;
	s6 =	simm.s32 $_tile_overlayer_lowered  }
0x9b: {  	s22 =	simm.s32 $0x1BFF;
	s21 =	sshll.u32 s6, $0x1;
	s3 =	sadd.s32 s4, s19  }
0x9c: {  	s7 =	simm.s32 $0x0;
	s20 =	sshll.u32 s5, $0x1;
	s5 =	sadd.s32 s21, s3  }
0x9d: {  	[timem:s7], [sflag:s22] =	dma.local [hbm:s5], s20  }
0x9e: {  	_ =	swait.ge [sflag:s22], s20  }
0x9f: {  	s4 =	ssub.s32 $0x0, s20;
	[sflag:s22] =	ssyncset.done $0x0  }
0xa0: {  	[sflag:s22] =	ssyncadd.s32 s4;
	_ =	sdelay $0x1  }
0xa1: {  	s23 =	simm.s32 $0x1B8B  }
0xa2: {  	_ =	swait.ge [sflag:s23], $0x1  }
0xa3: {  	[sflag:s23] =	ssyncset.done $0x0  }
0xa4: {  	s25 =	simm.s32 $0x1B8E;
	s24 =	sld [smem:$0x3FFE];
	[sflag:s23] =	ssyncadd.s32 $0xFFFFFFFF  }
0xa5: {  	s26 =	simm.s32 $execute0_lowered;
	[smem:$0x3FD2] =	sst s25  }
0xa6: {  	s5 =	sshll.u32 s26, $0x1;
	_ =	strace $0x80000046;
	[dreg:$0x1] =	wrdreg $0xFFFFFFFF  }
0xa7: {  	s28 =	simm.s32 $_size_execute0_lowered;
	s3 =	sadd.s32 s3, s5;
	[dreg:$0x0] =	wrdreg $0x0  }
0xa8: {  	s5 =	sshll.u32 s28, $0x1;
	[dreg:$0x2] =	wrdreg s3  }
0xa9: {  	[dreg:$0x3] =	wrdreg s5  }
0xaa: {  	[dreg:$0x4] =	wrdreg $0xC0  }
0xab: {  	_ =	task [dreg:s7], $0x5FFFF  }
0xac: {  	[dreg:$0x1] =	wrdreg $0xFFFFFFFF  }
0xad: {  	[dreg:$0x0] =	wrdreg $0x60  }
0xae: {  	[dreg:$0x2] =	wrdreg s2  }
0xaf: {  	[dreg:$0x3] =	wrdreg s24  }
0xb0: {  	[dreg:$0x4] =	wrdreg $0x167800  }
0xb1: {  	[dreg:$0x5] =	wrdreg $0x9  }
0xb2: {  	_ =	task.clear_ibuf [dreg:s7], $0x6FFFF;
	_ =	strace $0x90000046  }
0xb3: {  	s29 =	simm.s32 $0x9;
	_ =	strace $0x80000048  }
0xb4: {  	_ =	swait.ge [sflag:s29], $0x1  }
0xb5: {  	[sflag:s29] =	ssyncadd.s32 $0xFFFFFFFF  }
0xb6: {  	_ =	strace $0x90000048  }
0xb7: {  	_ =	sfence  }
0xb8: {  	s30 =	sld [smem:$0x0];
	_ =	sdelay $0x2  }
0xb9: {  	s31 =	sshll.u32 s1, $0xD;
	s1 =	sshrl.u32 s1, $0x2  }
0xba: {  	s3 =	sand.u32 $0x4000, s31;
	s1 =	sadd.s32 s1, s30  }
0xbb: {  	s0 =	sor.u32 s3, s0;
	s1 =	sshll.u32 s1, $0x11  }
0xbc: {  	s0 =	sor.u32 s1, s0  }
0xbd: {  	s0 =	sadd.s32 $0x8F2B, s0  }
0xbe: {  	[sflag:s0] =	ssyncadd.remote.s32 $0x1  }
0xbf: {  	_ =	sfence.sel $0xFFFF  }
0xc0: {  	[dreg:$0x0] =	wrdreg $0xFFFFFFFF;
	(pc) =	sbr.abs _section_cstart, $3  }
0xc1: {  	[dreg:$0x1] =	wrdreg $0xFFFFFFFF  }
0xc2: {  	_ =	task.clear_ibuf [dreg:s7], $0x2FFFF;
	_ =	strace $0x9FFFFFFF  }
0xc3: {  	(tm) =	ssettm $0x7FFFFFFF  }
tec
execute0_lowered:
.L_overlay_start_1:
0x0: {  	(tag) =	ssettag $0x1  }
0x1: {  	s4 =	rddreg [dreg:$0x0]  }
0x2: {  	s5 =	rddreg [dreg:$0x1]  }
0x3: {  	s1 =	rddreg [dreg:$0x2]  }
0x4: {  	s0 =	rddreg [dreg:$0x3];
	s2 =	simm.s32 $0x0  }
0x5: {  	s3 =	srdreg.scid;
	s11 =	stileid.u32;
	s10 =	simm.s32 $0x16380  }
0x6: {  	s12 =	simm.s32 $0x7D;
	s13 =	simm.s32 $0x16400;
	s14 =	simm.s32 $0x6600  }
0x7: {  	s15 =	simm.s32 $0x16480;
	s16 =	simm.s32 $0xA480;
	s17 =	simm.s32 $0x16500  }
0x8: {  	s18 =	simm.s32 $0xE300;
	s19 =	simm.s32 $0x16580;
	s20 =	simm.s32 $0x12180  }
0x9: {  	s22 =	simm.s32 $0x0;
	[smem:$0x7FF] =	sst s2;
	s6 =	sand.u32 $0x1, s3  }
0xa: {  	s29 =	sshrl.u32 s11, $0x2;
	s7 =	sshll.u32 s11, $0x8;
	s3 =	sadd.s32 $0x2400, s5  }
0xb: {  	p0 =	sne.s32 s11, $0x0;
	s11 =	simm.s32 $0x2780;
	s8 =	smul.u32 $0x13C00, s29  }
0xc: {  	s30 =	sshll.u32 s6, $0x7;
	s7 =	sand.u32 $0x300, s7;
	_ =	strace $0x80000047  }
0xd: {  	s9 =	smul.u32 $0x2780, s6;
	s6 =	ssub.s32 $0x2, s6;
	s7 =	sor.u32 s30, s7  }
0xe: {  	s21 =	sshrl.u32 @!p0 s1, $0x3;
	s31 =	sshrl.u32 s6, $0x1;
	s7 =	sor.u32 s8, s7  }
0xf: {  	s5 =	sadd.s32 s9, s5;
	s6 =	ssub.s32 s6, s31;
	s8 =	simm.s32 $0x400  }
0x10: {  	s9 =	simm.s32 $0x1;
	s7 =	sshrl.u32 s7, $0x3;
	s5 =	sadd.s32 $0x2600, s5  }
0x11: {  	v0 =	vimm.f32 $0.0e+00;
	v1 =	vimm.f32 $1.000000000e+00;
	s6 =	smax.u32 s6, $0x1;
	s4 =	sadd.s32 s4, s7;
	s7 =	simm.s32 $0x80  }
.LBB2_1:
0x12: {  	[tilespmem:s2], [sflag:$0x1] =	stream.strided.gather [hbm4b:s4+s7], $0x2780, s8, s7, $0x38;
	[tilespmem:$0x169F8] =	vst v63  }
0x13: {  	_ =	swait.ge [sflag:s9], $0x2780  }
0x14: {  	[sflag:s9] =	ssyncset.done $0x0  }
0x15: {  	[sflag:s9] =	ssyncadd.s32 $0xFFFFD880  }
0x16: {  	[tilespmem:s10], [sflag:$0x1] =	stream.linear.gather [hbm4b:s3+s2], $0x280, $0x38;
	[tilespmem:$0x169F8] =	vst v63  }
0x17: {  	_ =	swait.ge [sflag:s9], $0x280  }
0x18: {  	[sflag:s9] =	ssyncset.done $0x0  }
0x19: {  	s23 =	simm.s32 $0x200;
	s24 =	simm.s32 $0x0;
	[sflag:s9] =	ssyncadd.s32 $0xFFFFFD80  }
.LBB2_2:
0x1a: {  	p1 =	sne.s32 s23, $0x4E000;
	[tilespmem:s24+$0x2780] =	vst v0;
	s24 =	smov.u32 s23;
	s23 =	sadd.s32 $0x200, s23  }
.Ltmp0:
0x1b: {  	(pc) =	sbr.rel @p1 .LBB2_2-.Ltmp0, $2  }
0x1c: {  	_ =	sdelay $0x2  }
0x1d: {  	s24 =	sshra.s32 s24, $0x2  }
0x1e: {  	[tilespmem:s24+$0x2780] =	vst v0;
	s23 =	simm.s32 @!p0 $0x2780  }
0x1f: {  	[spmem:s1] =	stream.linear.scatter @!p0 [tilespmem:s23], [sflag:$0x1], $0x13880, $0x38;
	[tilespmem:$0x169F8] =	vst v63  }
0x20: {  	s23 =	simm.s32 @!p0 $0x1  }
0x21: {  	_ =	swait.ge @!p0 [sflag:s23], $0x13880  }
0x22: {  	[sflag:s23] =	ssyncset.done @!p0 $0x0  }
0x23: {  	[sflag:s23] =	ssyncadd.s32 @!p0 $0xFFFEC780  }
0x24: {  	s24 =	simm.s32 $0x0;
	s23 =	simm.s32 $0x40;
	[bflag:$0x0] =	sbarrier.arrive $0xFFFF  }
.LBB2_4:
0x25: {  	p1 =	sne.s32 s23, $0x9C00;
	v2 =	vld [tilespmem:s24+$0x0];
	_ =	sdelay $0x4  }
0x26: {  	v3 =	vshll.u32 v2, $0x3  }
0x27: {  	v2 =	vand.u32 $0xF, v2;
	v3 =	vand.u32 $0xFFFFFF80, v3  }
0x28: {  	v2 =	vor.u32 v2, v3  }
.Ltmp1:
0x29: {  	(pc) =	sbr.rel @p1 .LBB2_4-.Ltmp1, $2  }
0x2a: {  	_ =	sdelay $0x2  }
0x2b: {  	s24 =	sshra.s32 s23, $0x2;
	s23 =	sadd.s32 $0x40, s23;
	[tilespmem:v2+s11+$0x0] =	vst.idx.add.f32.msk $0xffff, v1  }
0x2c: {  	v2 =	vld [tilespmem:s24+$0x0];
	_ =	sdelay $0x4  }
0x2d: {  	v3 =	vshll.u32 v2, $0x3  }
0x2e: {  	v2 =	vand.u32 $0xF, v2;
	v3 =	vand.u32 $0xFFFFFF80, v3  }
0x2f: {  	v2 =	vor.u32 v2, v3;
	_ =	sdelay $0x4  }
0x30: {  	[tilespmem:v2+s11+$0x0] =	vst.idx.add.f32.msk $0xffff, v1  }
0x31: {  	[spmem:s1] =	stream.indirect.scatter.add.f32 [tilespmem:s11], [sflag:$0x1], $0x10, s10, s12, $0xb8;
	[tilespmem:$0x169F8] =	vst v63  }
0x32: {  	_ =	swait.ge [sflag:s9], $0x7D0  }
0x33: {  	[sflag:s9] =	ssyncset.done $0x0  }
0x34: {  	[sflag:s9] =	ssyncadd.s32 $0xFFFFF830  }
0x35: {  	[spmem:s1] =	stream.indirect.scatter.add.f32 [tilespmem:s14], [sflag:$0x1], $0x10, s13, s12, $0xb8;
	[tilespmem:$0x169F8] =	vst v63  }
0x36: {  	_ =	swait.ge [sflag:s9], $0x7D0  }
0x37: {  	[sflag:s9] =	ssyncset.done $0x0  }
0x38: {  	[sflag:s9] =	ssyncadd.s32 $0xFFFFF830  }
0x39: {  	[spmem:s1] =	stream.indirect.scatter.add.f32 [tilespmem:s16], [sflag:$0x1], $0x10, s15, s12, $0xb8;
	[tilespmem:$0x169F8] =	vst v63  }
0x3a: {  	_ =	swait.ge [sflag:s9], $0x7D0  }
0x3b: {  	[sflag:s9] =	ssyncset.done $0x0  }
0x3c: {  	[sflag:s9] =	ssyncadd.s32 $0xFFFFF830  }
0x3d: {  	[spmem:s1] =	stream.indirect.scatter.add.f32 [tilespmem:s18], [sflag:$0x1], $0x10, s17, s12, $0xb8;
	[tilespmem:$0x169F8] =	vst v63  }
0x3e: {  	_ =	swait.ge [sflag:s9], $0x7D0  }
0x3f: {  	[sflag:s9] =	ssyncset.done $0x0  }
0x40: {  	[sflag:s9] =	ssyncadd.s32 $0xFFFFF830  }
0x41: {  	[spmem:s1] =	stream.indirect.scatter.add.f32 [tilespmem:s20], [sflag:$0x1], $0x10, s19, s12, $0xb8;
	[tilespmem:$0x169F8] =	vst v63  }
0x42: {  	_ =	swait.ge [sflag:s9], $0x7D0  }
0x43: {  	[sflag:s9] =	ssyncset.done $0x0  }
0x44: {  	s22 =	sadd.s32 $0x1, s22;
	[sflag:s9] =	ssyncadd.s32 $0xFFFFF830  }
0x45: {  	s23 =	simm.s32 @!p0 $0x1C01;
	p1 =	sne.s32 s22, s6;
	[bflag:$0x0] =	sbarrier.arrive $0xFFFF  }
0x46: {  	[hbm:s5], [sflag:s23] =	dma.local @!p0 [spmem:s21], $0x2710  }
.Ltmp2:
0x47: {  	_ = 	snop;
	(pc) =	sbr.rel @p1 .LBB2_1-.Ltmp2, $4  }
0x48: {  	s23 =	simm.s32 @!p0 $0x1  }
0x49: {  	_ =	swait.ge @!p0 [sflag:s23], $0x2710  }
0x4a: {  	[sflag:s23] =	ssyncset.done @!p0 $0x0  }
0x4b: {  	[sflag:s23] =	ssyncadd.s32 @!p0 $0xFFFFD8F0  }
0x4c: {  	_ =	sfence.sel $0x180000  }
0x4d: {  	[bflag:$0x0] =	sbarrier.arrive $0xFFFF  }
0x4e: {  	_ =	strace $0x90000047  }
0x4f: {  	s0 =	sadd.s32 @!p0 $0x100000, s0;
	[bflag:$0x2] =	sbarrier.arrive $0xFFFF  }
0x50: {  	[sflag:s0] =	ssyncadd.tile.s32 @!p0 $0x1;
	_ =	shalt  }
.Lfunc_end2:
_tile_overlayer_lowered:
.L_overlay_start_2:
0x51: {  	(tag) =	ssettag $0x2  }
0x52: {  	s0 =	rddreg [dreg:$0x0];
	s2 =	stileid.u32  }
0x53: {  	s1 =	rddreg [dreg:$0x1];
	p0 =	sne.s32 s2, $0x0  }
0x54: {  	s3 =	rddreg [dreg:$0x2];
	[bflag:$0x3] =	sbarrier.arrive $0xFFFF;
	s2 =	simm.s32 @!p0 $0x1C01  }
0x55: {  	[timem:s3], [sflag:s2] =	dma.local @!p0 [hbm:s0], s1  }
0x56: {  	s0 =	simm.s32 @!p0 $0x1  }
0x57: {  	_ =	swait.ge @!p0 [sflag:s0], s1  }
0x58: {  	s1 =	ssub.s32 @!p0 $0x0, s1;
	[sflag:s0] =	ssyncset.done @!p0 $0x0  }
0x59: {  	[sflag:s0] =	ssyncadd.s32 @!p0 s1  }
0x5a: {  	[bflag:$0x3] =	sbarrier.arrive $0xFFFF  }
0x5b: {  	_ =	shalt  }

</sc_bundles>
